<compile_context>
chip_gen: v7x
topology: tpu7x:2x2x1
jax: 0.10.2.dev20260603
libtpu: 0.0.44.dev20260713+nightly
codegen_flags: <defaults>
</compile_context>

<pallas_src>
import functools

import jax
import jax.numpy as jnp
from jax import lax
from jax.experimental import pallas as pl
from jax.experimental.pallas import tpu as pltpu
from jax.experimental.pallas import tpu_sc as plsc


def _dot(a, b):
    return lax.dot_general(a, b, (((1,), (0,)), ((), ())),
                           preferred_element_type=jnp.float32)


def _p1_body(x1_ref, x1t_ref, x2_ref, t8_ref, i1_ref, i2_ref, i3_ref,
             *, TN, S):
    b = pl.program_id(0)

    x1b = x1_ref[0]
    x1t = x1t_ref[0]
    x2b = x2_ref[0]

    x2sq = x2b * x2b
    n2 = x2sq[0:1] + x2sq[1:2] + x2sq[2:3]
    x1tsq = x1t * x1t
    n1 = x1tsq[:, 0:1] + x1tsq[:, 1:2] + x1tsq[:, 2:3]
    prod = lax.dot_general(x1b, x2b, (((0,), (0,)), ((), ())),
                           preferred_element_type=jnp.float32)
    d = jnp.maximum(n1 + n2 - 2.0 * prod, 0.0)

    iota = lax.broadcasted_iota(jnp.int32, (TN, S), 1).astype(jnp.float32)
    inf = jnp.float32(jnp.inf)
    sels, ws = [], []
    wsum = jnp.zeros((TN, 1), jnp.float32)
    for k in range(3):
        m = jnp.min(d, axis=1, keepdims=True)
        cand = jnp.where(d == m, iota, jnp.float32(S))
        sel = jnp.min(cand, axis=1, keepdims=True)
        if k < 2:
            d = jnp.where(cand == sel, inf, d)
        wk = 1.0 / (m + 1e-8)
        wsum = wsum + wk
        sels.append(sel)
        ws.append(wk)
    inv = 1.0 / wsum
    base = jnp.float32(S) * b.astype(jnp.float32)
    t = jnp.concatenate(
        [sels[0] + base, sels[1] + base, sels[2] + base,
         ws[0] * inv, ws[1] * inv, ws[2] * inv,
         jnp.zeros((TN, 2), jnp.float32)], axis=1)
    tt = jnp.transpose(t, (1, 0))
    t8_ref[0] = tt
    i1_ref[...] = tt[0:1, :].astype(jnp.int32).reshape(TN)
    i2_ref[...] = tt[1:2, :].astype(jnp.int32).reshape(TN)
    i3_ref[...] = tt[2:3, :].astype(jnp.int32).reshape(TN)


def _make_sc_gather(BN, CH, NC):
    mesh = plsc.VectorSubcoreMesh(core_axis_name="c", subcore_axis_name="s")
    per_w = BN // 32

    NQC = per_w // CH

    @functools.partial(
        pl.kernel, mesh=mesh,
        compiler_params=pltpu.CompilerParams(use_tc_tiling_on_sc=False),
        out_type=jax.ShapeDtypeStruct((3 * BN, 128), jnp.float32),
        scratch_types=[
            pltpu.VMEM((per_w,), jnp.int32),
            pltpu.VMEM((per_w,), jnp.int32),
            pltpu.VMEM((per_w,), jnp.int32),
            pltpu.VMEM((CH, 64), jnp.float32),
            pltpu.VMEM((CH, 64), jnp.float32),
            pltpu.SemaphoreType.DMA,
            pltpu.SemaphoreType.DMA,
        ],
    )
    def sc_gather(i1_hbm, i2_hbm, i3_hbm, table_hbm, out_hbm,
                  i1_v, i2_v, i3_v, rows_a, rows_b, sem_a, sem_b):
        wid = lax.axis_index("s") * NC + lax.axis_index("c")
        base = wid * per_w
        pltpu.sync_copy(i1_hbm.at[pl.ds(base, per_w)], i1_v)
        pltpu.sync_copy(i2_hbm.at[pl.ds(base, per_w)], i2_v)
        pltpu.sync_copy(i3_hbm.at[pl.ds(base, per_w)], i3_v)
        idxs = (i1_v, i2_v, i3_v)
        bufs = (rows_a, rows_b)
        sems = (sem_a, sem_b)

        def gather_desc(k, qc, buf, sem):
            return pltpu.make_async_copy(
                table_hbm.at[idxs[k].at[pl.ds(qc * CH, CH)]], buf, sem)

        gather_desc(0, 0, bufs[0], sems[0]).start()

        def body(j, _):
            qc0 = 2 * j
            for t in range(6):
                k = t % 3
                qc = qc0 + t // 3
                cur = t % 2
                gather_desc(k, qc, bufs[cur], sems[cur]).wait()
                nk = (t + 1) % 3
                nqc = jnp.minimum(qc0 + (t + 1) // 3, NQC - 1)
                gather_desc(nk, nqc, bufs[(t + 1) % 2],
                            sems[(t + 1) % 2]).start()
                pltpu.sync_copy(
                    bufs[cur],
                    out_hbm.at[pl.ds(k * BN + base + qc * CH, CH),
                               pl.ds(0, 64)])
            return ()

        lax.fori_loop(0, NQC // 2, body, (), unroll=1)
        gather_desc(0, NQC - 1, bufs[0], sems[0]).wait()

    return sc_gather


def _p2_body(g1_ref, g2_ref, g3_ref, t8_ref, p1_ref, w0_ref, b0_ref,
             z0_ref, sum_ref, sq_ref):
    b = pl.program_id(0)
    nt = pl.program_id(1)

    @pl.when(jnp.logical_and(b == 0, nt == 0))
    def _():
        sum_ref[...] = jnp.zeros_like(sum_ref)
        sq_ref[...] = jnp.zeros_like(sq_ref)

    tq = jnp.transpose(t8_ref[0], (1, 0))
    interp_q = (tq[:, 3:4] * g1_ref[:, 0:64] + tq[:, 4:5] * g2_ref[:, 0:64]
                + tq[:, 5:6] * g3_ref[:, 0:64])
    w0 = w0_ref[...]
    z0 = (_dot(w0[:, 0:64], p1_ref[0])
          + lax.dot_general(w0[:, 64:128], interp_q, (((1,), (1,)), ((), ())),
                            preferred_element_type=jnp.float32)
          + b0_ref[...])
    z0_ref[0] = z0
    sum_ref[...] += jnp.sum(z0, axis=1, keepdims=True)
    sq_ref[...] += jnp.sum(z0 * z0, axis=1, keepdims=True)


def _bn_affine(s_ref, q_ref, g_ref, be_ref, P):
    mean = s_ref[...] / P
    var = q_ref[...] / P - mean * mean
    sc = g_ref[...] * lax.rsqrt(var + 1e-5)
    sh = be_ref[...] - mean * sc
    return sc, sh


def _p3_body(z0_ref, s0_ref, q0_ref, g0_ref, be0_ref, w1_ref, b1_ref,
             z1_ref, sum_ref, sq_ref, *, P):
    b = pl.program_id(0)
    nt = pl.program_id(1)

    @pl.when(jnp.logical_and(b == 0, nt == 0))
    def _():
        sum_ref[...] = jnp.zeros_like(sum_ref)
        sq_ref[...] = jnp.zeros_like(sq_ref)

    sc, sh = _bn_affine(s0_ref, q0_ref, g0_ref, be0_ref, P)
    y0 = jnp.maximum(z0_ref[0] * sc + sh, 0.0)
    z1 = _dot(w1_ref[...], y0) + b1_ref[...]
    z1_ref[0] = z1
    sum_ref[...] += jnp.sum(z1, axis=1, keepdims=True)
    sq_ref[...] += jnp.sum(z1 * z1, axis=1, keepdims=True)


def _p4_body(z1_ref, s1_ref, q1_ref, g1_ref, be1_ref, out_ref, *, P):
    sc, sh = _bn_affine(s1_ref, q1_ref, g1_ref, be1_ref, P)
    out_ref[0] = jnp.maximum(z1_ref[0] * sc + sh, 0.0)


def _c64(i_map):
    return pl.BlockSpec((64, 1), i_map)


def kernel(xyz1, xyz2, points1, points2, W0, b0, g0, be0, W1, b1, g1, be1):
    B, _, N = xyz1.shape
    S = xyz2.shape[2]
    TN = 1024
    NT = N // TN
    P = float(B * N)
    BN = B * N
    CH = 128

    col = lambda v: v.reshape(64, 1)
    c0 = lambda b, n: (0, 0)

    t8, i1, i2, i3 = pl.pallas_call(
        functools.partial(_p1_body, TN=TN, S=S),
        grid=(B, NT),
        in_specs=[
            pl.BlockSpec((1, 3, TN), lambda b, n: (b, 0, n)),
            pl.BlockSpec((1, TN, 3), lambda b, n: (b, n, 0)),
            pl.BlockSpec((1, 3, S), lambda b, n: (b, 0, 0)),
        ],
        out_specs=[
            pl.BlockSpec((1, 8, TN), lambda b, n: (b, 0, n)),
            pl.BlockSpec((TN,), lambda b, n: (b * NT + n,)),
            pl.BlockSpec((TN,), lambda b, n: (b * NT + n,)),
            pl.BlockSpec((TN,), lambda b, n: (b * NT + n,)),
        ],
        out_shape=[jax.ShapeDtypeStruct((B, 8, N), jnp.float32),
                   jax.ShapeDtypeStruct((BN,), jnp.int32),
                   jax.ShapeDtypeStruct((BN,), jnp.int32),
                   jax.ShapeDtypeStruct((BN,), jnp.int32)],
    )(xyz1, jnp.transpose(xyz1, (0, 2, 1)), xyz2)

    p2_flat = jnp.transpose(points2, (0, 2, 1)).reshape(B * S, 64)
    g = _make_sc_gather(BN, CH, 2)(i1, i2, i3, p2_flat)

    f1 = jax.ShapeDtypeStruct((64, 1), jnp.float32)
    gspec = lambda k: pl.BlockSpec(
        (TN, 128), lambda b, n, k=k: (k * B * NT + b * NT + n, 0))
    z0, s0, q0 = pl.pallas_call(
        _p2_body,
        grid=(B, NT),
        in_specs=[
            gspec(0), gspec(1), gspec(2),
            pl.BlockSpec((1, 8, TN), lambda b, n: (b, 0, n)),
            pl.BlockSpec((1, 64, TN), lambda b, n: (b, 0, n)),
            pl.BlockSpec((64, 128), c0),
            _c64(c0),
        ],
        out_specs=[
            pl.BlockSpec((1, 64, TN), lambda b, n: (b, 0, n)),
            _c64(c0),
            _c64(c0),
        ],
        out_shape=[jax.ShapeDtypeStruct((B, 64, N), jnp.float32), f1, f1],
    )(g, g, g, t8, points1, W0, col(b0))

    z1, s1, q1 = pl.pallas_call(
        functools.partial(_p3_body, P=P),
        grid=(B, NT),
        in_specs=[
            pl.BlockSpec((1, 64, TN), lambda b, n: (b, 0, n)),
            _c64(c0), _c64(c0), _c64(c0), _c64(c0),
            pl.BlockSpec((64, 64), c0),
            _c64(c0),
        ],
        out_specs=[
            pl.BlockSpec((1, 64, TN), lambda b, n: (b, 0, n)),
            _c64(c0),
            _c64(c0),
        ],
        out_shape=[jax.ShapeDtypeStruct((B, 64, N), jnp.float32), f1, f1],
    )(z0, s0, q0, col(g0), col(be0), W1, col(b1))

    out = pl.pallas_call(
        functools.partial(_p4_body, P=P),
        grid=(B, NT),
        in_specs=[
            pl.BlockSpec((1, 64, TN), lambda b, n: (b, 0, n)),
            _c64(c0), _c64(c0), _c64(c0), _c64(c0),
        ],
        out_specs=pl.BlockSpec((1, 64, TN), lambda b, n: (b, 0, n)),
        out_shape=jax.ShapeDtypeStruct((B, 64, N), jnp.float32),
    )(z1, s1, q1, col(g1), col(be1))

    return out

# --- scband reference (transcript-rebuilt; emitter-appended) ---
"""Pipeline reference for scband-feature-decoding-module-14027363188878 (READ-ONLY COPY).

The authoritative reference and input builder live on the scoring server;
editing this copy changes nothing except your own understanding.
"""

import jax, jax.numpy as jnp
import numpy as np


def setup_inputs(seed: int = 0) -> dict:
    key = jax.random.key(seed)
    ks = jax.random.split(key, 8)
    B, N, S, D1, D2 = 8, 8192, 1024, 64, 64
    C_in = D1 + D2
    xyz1 = jax.random.uniform(ks[0], (B, 3, N), dtype=jnp.float32)
    xyz2 = jax.random.uniform(ks[1], (B, 3, S), dtype=jnp.float32)
    points1 = jax.random.normal(ks[2], (B, D1, N), dtype=jnp.float32)
    points2 = jax.random.normal(ks[3], (B, D2, S), dtype=jnp.float32)
    W0 = jax.random.normal(ks[4], (64, C_in), dtype=jnp.float32) * (1.0 / np.sqrt(C_in))
    b0 = jnp.zeros((64,), dtype=jnp.float32)
    g0 = jnp.ones((64,), dtype=jnp.float32)
    be0 = jnp.zeros((64,), dtype=jnp.float32)
    W1 = jax.random.normal(ks[5], (64, 64), dtype=jnp.float32) * (1.0 / np.sqrt(64))
    b1 = jnp.zeros((64,), dtype=jnp.float32)
    g1 = jnp.ones((64,), dtype=jnp.float32)
    be1 = jnp.zeros((64,), dtype=jnp.float32)
    return {"xyz1": xyz1, "xyz2": xyz2, "points1": points1, "points2": points2,
            "W0": W0, "b0": b0, "g0": g0, "be0": be0,
            "W1": W1, "b1": b1, "g1": g1, "be1": be1}


def _square_distance(src, dst):
    # squared euclidean pairwise distances, [B, N, S]
    d = (jnp.sum(src ** 2, axis=-1)[:, :, None]
         + jnp.sum(dst ** 2, axis=-1)[:, None, :]
         - 2.0 * jnp.einsum('bnc,bsc->bns', src, dst))
    return jnp.maximum(d, 0.0)


def _conv_bn_relu(y, W, b, g, be):
    # 1x1 Conv1d as matmul over channel dim; BatchNorm1d in training mode
    y = jnp.einsum('bnc,oc->bno', y, W) + b
    mean = jnp.mean(y, axis=(0, 1))
    var = jnp.var(y, axis=(0, 1))
    y = (y - mean) / jnp.sqrt(var + 1e-5) * g + be
    return jax.nn.relu(y)


def reference(xyz1, xyz2, points1, points2, W0, b0, g0, be0, W1, b1, g1, be1):
    x1 = jnp.transpose(xyz1, (0, 2, 1))      # [B, N, 3]
    x2 = jnp.transpose(xyz2, (0, 2, 1))      # [B, S, 3]
    p2 = jnp.transpose(points2, (0, 2, 1))   # [B, S, D2]
    B, N, _ = x1.shape
    dists_full = _square_distance(x1, x2)    # [B, N, S]
    neg_vals, idx = jax.lax.top_k(-dists_full, 3)  # 3 nearest neighbors
    dists = -neg_vals                         # [B, N, 3]
    dist_recip = 1.0 / (dists + 1e-8)
    norm = jnp.sum(dist_recip, axis=2, keepdims=True)
    weight = dist_recip / norm               # [B, N, 3]
    gathered = jax.vmap(lambda pts, i: pts[i])(p2, idx)   # [B, N, 3, D2]
    interpolated = jnp.sum(gathered * weight[..., None], axis=2)  # [B, N, D2]
    p1 = jnp.transpose(points1, (0, 2, 1))   # [B, N, D1]
    new_points = jnp.concatenate([p1, interpolated], axis=-1)  # [B, N, D1+D2]
    y = _conv_bn_relu(new_points, W0, b0, g0, be0)
    y = _conv_bn_relu(y, W1, b1, g1, be1)
    return jnp.transpose(y, (0, 2, 1))       # [B, 64, N]

if __name__ == "__main__":
    import jax
    _d = setup_inputs()
    print(jax.jit(kernel)(*tuple(_d.values())))

</pallas_src>

<mosaic_0001>
#map = affine_map<(d0, d1) -> (0)>
#map1 = affine_map<(d0, d1) -> (0, 0)>
module attributes {stable_mosaic.version = 14 : i64} {
  func.func @sc_gather(%arg0: i32, %arg1: i32, %arg2: memref<65536xi32, #tpu.memory_space<hbm>>, %arg3: memref<65536xi32, #tpu.memory_space<hbm>>, %arg4: memref<65536xi32, #tpu.memory_space<hbm>>, %arg5: memref<8192x64xf32, #tpu.memory_space<hbm>>, %arg6: memref<196608x128xf32, #tpu.memory_space<hbm>>, %arg7: memref<2048xi32, #tpu.memory_space<vmem>>, %arg8: memref<2048xi32, #tpu.memory_space<vmem>>, %arg9: memref<2048xi32, #tpu.memory_space<vmem>>, %arg10: memref<128x64xf32, #tpu.memory_space<vmem>>, %arg11: memref<128x64xf32, #tpu.memory_space<vmem>>, %arg12: memref<!tpu.dma_semaphore, #tpu.memory_space<semaphore_mem>>, %arg13: memref<!tpu.dma_semaphore, #tpu.memory_space<semaphore_mem>>) attributes {dimension_semantics = [#tpu.dimension_semantics<core_parallel>, #tpu.dimension_semantics<subcore_parallel>], iteration_bounds = array<i64: 2, 16>, scalar_prefetch = 0 : i64, scratch_operands = 7 : i64, tpu.core_type = #tpu.core_type<sc_vector_subcore>, window_params = [{transform_indices = #map}, {transform_indices = #map}, {transform_indices = #map}, {transform_indices = #map1}, {transform_indices = #map1}]} {
    %mul3A = arith.constant 2 : i32
    %mul3A_0 = arith.muli %arg1, %mul3A : i32
    %add3A = arith.addi %mul3A_0, %arg0 : i32
    %mul3A_1 = arith.constant 2048 : i32
    %mul3A_2 = arith.muli %add3A, %mul3A_1 : i32
    "tpu.region"() ({
      %run_scoped3A = tpu.sem_alloc : memref<!tpu.dma_semaphore, #tpu.memory_space<semaphore_mem>>
      %dma_start3A_15 = tpu.memref_slice %arg2[%mul3A_2] : memref<65536xi32, #tpu.memory_space<hbm>> -> memref<2048xi32, #tpu.memory_space<hbm>>
      %dma_start3A_16 = tpu.memref_slice %arg2[%mul3A_2] : memref<65536xi32, #tpu.memory_space<hbm>> -> memref<2048xi32, #tpu.memory_space<hbm>>
      tpu.enqueue_dma source(%dma_start3A_16 : memref<2048xi32, #tpu.memory_space<hbm>>) target(%arg7 : memref<2048xi32, #tpu.memory_space<vmem>>) target_semaphore(%run_scoped3A : memref<!tpu.dma_semaphore, #tpu.memory_space<semaphore_mem>>)
      %dma_wait3A_17 = tpu.memref_slice %arg2[%mul3A_2] : memref<65536xi32, #tpu.memory_space<hbm>> -> memref<2048xi32, #tpu.memory_space<hbm>>
      %dma_wait3A_18 = tpu.memref_slice %arg2[%mul3A_2] : memref<65536xi32, #tpu.memory_space<hbm>> -> memref<2048xi32, #tpu.memory_space<hbm>>
      tpu.wait_dma2 semaphore(%run_scoped3A : memref<!tpu.dma_semaphore, #tpu.memory_space<semaphore_mem>>) src(%dma_wait3A_18 : memref<2048xi32, #tpu.memory_space<hbm>>) dst(%arg7 : memref<2048xi32, #tpu.memory_space<vmem>>)
      tpu.yield
    }) : () -> ()
    "tpu.region"() ({
      %run_scoped3A = tpu.sem_alloc : memref<!tpu.dma_semaphore, #tpu.memory_space<semaphore_mem>>
      %dma_start3A_15 = tpu.memref_slice %arg3[%mul3A_2] : memref<65536xi32, #tpu.memory_space<hbm>> -> memref<2048xi32, #tpu.memory_space<hbm>>
      %dma_start3A_16 = tpu.memref_slice %arg3[%mul3A_2] : memref<65536xi32, #tpu.memory_space<hbm>> -> memref<2048xi32, #tpu.memory_space<hbm>>
      tpu.enqueue_dma source(%dma_start3A_16 : memref<2048xi32, #tpu.memory_space<hbm>>) target(%arg8 : memref<2048xi32, #tpu.memory_space<vmem>>) target_semaphore(%run_scoped3A : memref<!tpu.dma_semaphore, #tpu.memory_space<semaphore_mem>>)
      %dma_wait3A_17 = tpu.memref_slice %arg3[%mul3A_2] : memref<65536xi32, #tpu.memory_space<hbm>> -> memref<2048xi32, #tpu.memory_space<hbm>>
      %dma_wait3A_18 = tpu.memref_slice %arg3[%mul3A_2] : memref<65536xi32, #tpu.memory_space<hbm>> -> memref<2048xi32, #tpu.memory_space<hbm>>
      tpu.wait_dma2 semaphore(%run_scoped3A : memref<!tpu.dma_semaphore, #tpu.memory_space<semaphore_mem>>) src(%dma_wait3A_18 : memref<2048xi32, #tpu.memory_space<hbm>>) dst(%arg8 : memref<2048xi32, #tpu.memory_space<vmem>>)
      tpu.yield
    }) : () -> ()
    "tpu.region"() ({
      %run_scoped3A = tpu.sem_alloc : memref<!tpu.dma_semaphore, #tpu.memory_space<semaphore_mem>>
      %dma_start3A_15 = tpu.memref_slice %arg4[%mul3A_2] : memref<65536xi32, #tpu.memory_space<hbm>> -> memref<2048xi32, #tpu.memory_space<hbm>>
      %dma_start3A_16 = tpu.memref_slice %arg4[%mul3A_2] : memref<65536xi32, #tpu.memory_space<hbm>> -> memref<2048xi32, #tpu.memory_space<hbm>>
      tpu.enqueue_dma source(%dma_start3A_16 : memref<2048xi32, #tpu.memory_space<hbm>>) target(%arg9 : memref<2048xi32, #tpu.memory_space<vmem>>) target_semaphore(%run_scoped3A : memref<!tpu.dma_semaphore, #tpu.memory_space<semaphore_mem>>)
      %dma_wait3A_17 = tpu.memref_slice %arg4[%mul3A_2] : memref<65536xi32, #tpu.memory_space<hbm>> -> memref<2048xi32, #tpu.memory_space<hbm>>
      %dma_wait3A_18 = tpu.memref_slice %arg4[%mul3A_2] : memref<65536xi32, #tpu.memory_space<hbm>> -> memref<2048xi32, #tpu.memory_space<hbm>>
      tpu.wait_dma2 semaphore(%run_scoped3A : memref<!tpu.dma_semaphore, #tpu.memory_space<semaphore_mem>>) src(%dma_wait3A_18 : memref<2048xi32, #tpu.memory_space<hbm>>) dst(%arg9 : memref<2048xi32, #tpu.memory_space<vmem>>)
      tpu.yield
    }) : () -> ()
    %dma_start3A = arith.constant 0 : i32
    %dma_start3A_3 = tpu.memref_slice %arg7[%dma_start3A] : memref<2048xi32, #tpu.memory_space<vmem>> -> memref<128xi32, #tpu.memory_space<vmem>>
    %dma_start3A_4 = arith.constant 0 : i32
    %dma_start3A_5 = arith.constant 0 : i32
    %dma_start3A_6 = tpu.memref_slice %arg5[%dma_start3A_4, %dma_start3A_5] : memref<8192x64xf32, #tpu.memory_space<hbm>> -> memref<8192x64xf32, #tpu.memory_space<hbm>>
    tpu.enqueue_indirect_dma source(%dma_start3A_6 : memref<8192x64xf32, #tpu.memory_space<hbm>>) target(%arg10 : memref<128x64xf32, #tpu.memory_space<vmem>>) offsets(%dma_start3A_3 : memref<128xi32, #tpu.memory_space<vmem>>) semaphore(%arg12 : memref<!tpu.dma_semaphore, #tpu.memory_space<semaphore_mem>>)
    %scan3A = arith.constant 0 : i32
    %scan3A_7 = arith.constant 8 : i32
    %scan3A_8 = arith.addi %scan3A, %scan3A_7 : i32
    %scan3A_9 = arith.constant 1 : i32
    scf.for %scan3A_15 = %scan3A to %scan3A_8 step %scan3A_9  : i32 {
      %mul3A_16 = arith.constant 2 : i32
      %mul3A_17 = arith.muli %mul3A_16, %scan3A_15 : i32
      %add3A_18 = arith.constant 0 : i32
      %add3A_19 = arith.addi %mul3A_17, %add3A_18 : i32
      %mul3A_20 = arith.constant 128 : i32
      %mul3A_21 = arith.muli %add3A_19, %mul3A_20 : i32
      %dma_wait3A_22 = tpu.memref_slice %arg7[%mul3A_21] : memref<2048xi32, #tpu.memory_space<vmem>> -> memref<128xi32, #tpu.memory_space<vmem>>
      %dma_wait3A_23 = arith.constant 0 : i32
      %dma_wait3A_24 = arith.constant 0 : i32
      %dma_wait3A_25 = tpu.memref_slice %arg5[%dma_wait3A_23, %dma_wait3A_24] : memref<8192x64xf32, #tpu.memory_space<hbm>> -> memref<8192x64xf32, #tpu.memory_space<hbm>>
      tpu.wait_indirect_dma semaphore(%arg12 : memref<!tpu.dma_semaphore, #tpu.memory_space<semaphore_mem>>) src(%dma_wait3A_25 : memref<8192x64xf32, #tpu.memory_space<hbm>>) dst(%arg10 : memref<128x64xf32, #tpu.memory_space<vmem>>)
      %add3A_26 = arith.constant 0 : i32
      %add3A_27 = arith.addi %mul3A_17, %add3A_26 : i32
      %min3A = arith.constant 15 : i32
      %min3A_28 = arith.minsi %add3A_27, %min3A : i32
      %mul3A_29 = arith.constant 128 : i32
      %mul3A_30 = arith.muli %min3A_28, %mul3A_29 : i32
      %dma_start3A_31 = tpu.memref_slice %arg8[%mul3A_30] : memref<2048xi32, #tpu.memory_space<vmem>> -> memref<128xi32, #tpu.memory_space<vmem>>
      %dma_start3A_32 = arith.constant 0 : i32
      %dma_start3A_33 = arith.constant 0 : i32
      %dma_start3A_34 = tpu.memref_slice %arg5[%dma_start3A_32, %dma_start3A_33] : memref<8192x64xf32, #tpu.memory_space<hbm>> -> memref<8192x64xf32, #tpu.memory_space<hbm>>
      tpu.enqueue_indirect_dma source(%dma_start3A_34 : memref<8192x64xf32, #tpu.memory_space<hbm>>) target(%arg11 : memref<128x64xf32, #tpu.memory_space<vmem>>) offsets(%dma_start3A_31 : memref<128xi32, #tpu.memory_space<vmem>>) semaphore(%arg13 : memref<!tpu.dma_semaphore, #tpu.memory_space<semaphore_mem>>)
      %add3A_35 = arith.constant 0 : i32
      %add3A_36 = arith.addi %add3A_35, %mul3A_2 : i32
      %mul3A_37 = arith.constant 128 : i32
      %mul3A_38 = arith.muli %add3A_19, %mul3A_37 : i32
      %add3A_39 = arith.addi %add3A_36, %mul3A_38 : i32
      "tpu.region"() ({
        %run_scoped3A = tpu.sem_alloc : memref<!tpu.dma_semaphore, #tpu.memory_space<semaphore_mem>>
        %dma_start3A_155 = arith.constant 0 : i32
        %dma_start3A_156 = tpu.memref_slice %arg6[%add3A_39, %dma_start3A_155] : memref<196608x128xf32, #tpu.memory_space<hbm>> -> memref<128x64xf32, #tpu.memory_space<hbm>>
        %dma_start3A_157 = arith.constant 0 : i32
        %dma_start3A_158 = tpu.memref_slice %arg6[%add3A_39, %dma_start3A_157] : memref<196608x128xf32, #tpu.memory_space<hbm>> -> memref<128x64xf32, #tpu.memory_space<hbm>>
        tpu.enqueue_dma source(%arg10 : memref<128x64xf32, #tpu.memory_space<vmem>>) target(%dma_start3A_158 : memref<128x64xf32, #tpu.memory_space<hbm>>) target_semaphore(%run_scoped3A : memref<!tpu.dma_semaphore, #tpu.memory_space<semaphore_mem>>)
        %dma_wait3A_159 = arith.constant 0 : i32
        %dma_wait3A_160 = tpu.memref_slice %arg6[%add3A_39, %dma_wait3A_159] : memref<196608x128xf32, #tpu.memory_space<hbm>> -> memref<128x64xf32, #tpu.memory_space<hbm>>
        %dma_wait3A_161 = arith.constant 0 : i32
        %dma_wait3A_162 = tpu.memref_slice %arg6[%add3A_39, %dma_wait3A_161] : memref<196608x128xf32, #tpu.memory_space<hbm>> -> memref<128x64xf32, #tpu.memory_space<hbm>>
        tpu.wait_dma2 semaphore(%run_scoped3A : memref<!tpu.dma_semaphore, #tpu.memory_space<semaphore_mem>>) src(%arg10 : memref<128x64xf32, #tpu.memory_space<vmem>>) dst(%dma_wait3A_162 : memref<128x64xf32, #tpu.memory_space<hbm>>)
        tpu.yield
      }) : () -> ()
      %add3A_40 = arith.constant 0 : i32
      %add3A_41 = arith.addi %mul3A_17, %add3A_40 : i32
      %mul3A_42 = arith.constant 128 : i32
      %mul3A_43 = arith.muli %add3A_41, %mul3A_42 : i32
      %dma_wait3A_44 = tpu.memref_slice %arg8[%mul3A_43] : memref<2048xi32, #tpu.memory_space<vmem>> -> memref<128xi32, #tpu.memory_space<vmem>>
      %dma_wait3A_45 = arith.constant 0 : i32
      %dma_wait3A_46 = arith.constant 0 : i32
      %dma_wait3A_47 = tpu.memref_slice %arg5[%dma_wait3A_45, %dma_wait3A_46] : memref<8192x64xf32, #tpu.memory_space<hbm>> -> memref<8192x64xf32, #tpu.memory_space<hbm>>
      tpu.wait_indirect_dma semaphore(%arg13 : memref<!tpu.dma_semaphore, #tpu.memory_space<semaphore_mem>>) src(%dma_wait3A_47 : memref<8192x64xf32, #tpu.memory_space<hbm>>) dst(%arg11 : memref<128x64xf32, #tpu.memory_space<vmem>>)
      %add3A_48 = arith.constant 0 : i32
      %add3A_49 = arith.addi %mul3A_17, %add3A_48 : i32
      %min3A_50 = arith.constant 15 : i32
      %min3A_51 = arith.minsi %add3A_49, %min3A_50 : i32
      %mul3A_52 = arith.constant 128 : i32
      %mul3A_53 = arith.muli %min3A_51, %mul3A_52 : i32
      %dma_start3A_54 = tpu.memref_slice %arg9[%mul3A_53] : memref<2048xi32, #tpu.memory_space<vmem>> -> memref<128xi32, #tpu.memory_space<vmem>>
      %dma_start3A_55 = arith.constant 0 : i32
      %dma_start3A_56 = arith.constant 0 : i32
      %dma_start3A_57 = tpu.memref_slice %arg5[%dma_start3A_55, %dma_start3A_56] : memref<8192x64xf32, #tpu.memory_space<hbm>> -> memref<8192x64xf32, #tpu.memory_space<hbm>>
      tpu.enqueue_indirect_dma source(%dma_start3A_57 : memref<8192x64xf32, #tpu.memory_space<hbm>>) target(%arg10 : memref<128x64xf32, #tpu.memory_space<vmem>>) offsets(%dma_start3A_54 : memref<128xi32, #tpu.memory_space<vmem>>) semaphore(%arg12 : memref<!tpu.dma_semaphore, #tpu.memory_space<semaphore_mem>>)
      %add3A_58 = arith.constant 65536 : i32
      %add3A_59 = arith.addi %add3A_58, %mul3A_2 : i32
      %mul3A_60 = arith.constant 128 : i32
      %mul3A_61 = arith.muli %add3A_41, %mul3A_60 : i32
      %add3A_62 = arith.addi %add3A_59, %mul3A_61 : i32
      "tpu.region"() ({
        %run_scoped3A = tpu.sem_alloc : memref<!tpu.dma_semaphore, #tpu.memory_space<semaphore_mem>>
        %dma_start3A_155 = arith.constant 0 : i32
        %dma_start3A_156 = tpu.memref_slice %arg6[%add3A_62, %dma_start3A_155] : memref<196608x128xf32, #tpu.memory_space<hbm>> -> memref<128x64xf32, #tpu.memory_space<hbm>>
        %dma_start3A_157 = arith.constant 0 : i32
        %dma_start3A_158 = tpu.memref_slice %arg6[%add3A_62, %dma_start3A_157] : memref<196608x128xf32, #tpu.memory_space<hbm>> -> memref<128x64xf32, #tpu.memory_space<hbm>>
        tpu.enqueue_dma source(%arg11 : memref<128x64xf32, #tpu.memory_space<vmem>>) target(%dma_start3A_158 : memref<128x64xf32, #tpu.memory_space<hbm>>) target_semaphore(%run_scoped3A : memref<!tpu.dma_semaphore, #tpu.memory_space<semaphore_mem>>)
        %dma_wait3A_159 = arith.constant 0 : i32
        %dma_wait3A_160 = tpu.memref_slice %arg6[%add3A_62, %dma_wait3A_159] : memref<196608x128xf32, #tpu.memory_space<hbm>> -> memref<128x64xf32, #tpu.memory_space<hbm>>
        %dma_wait3A_161 = arith.constant 0 : i32
        %dma_wait3A_162 = tpu.memref_slice %arg6[%add3A_62, %dma_wait3A_161] : memref<196608x128xf32, #tpu.memory_space<hbm>> -> memref<128x64xf32, #tpu.memory_space<hbm>>
        tpu.wait_dma2 semaphore(%run_scoped3A : memref<!tpu.dma_semaphore, #tpu.memory_space<semaphore_mem>>) src(%arg11 : memref<128x64xf32, #tpu.memory_space<vmem>>) dst(%dma_wait3A_162 : memref<128x64xf32, #tpu.memory_space<hbm>>)
        tpu.yield
      }) : () -> ()
      %add3A_63 = arith.constant 0 : i32
      %add3A_64 = arith.addi %mul3A_17, %add3A_63 : i32
      %mul3A_65 = arith.constant 128 : i32
      %mul3A_66 = arith.muli %add3A_64, %mul3A_65 : i32
      %dma_wait3A_67 = tpu.memref_slice %arg9[%mul3A_66] : memref<2048xi32, #tpu.memory_space<vmem>> -> memref<128xi32, #tpu.memory_space<vmem>>
      %dma_wait3A_68 = arith.constant 0 : i32
      %dma_wait3A_69 = arith.constant 0 : i32
      %dma_wait3A_70 = tpu.memref_slice %arg5[%dma_wait3A_68, %dma_wait3A_69] : memref<8192x64xf32, #tpu.memory_space<hbm>> -> memref<8192x64xf32, #tpu.memory_space<hbm>>
      tpu.wait_indirect_dma semaphore(%arg12 : memref<!tpu.dma_semaphore, #tpu.memory_space<semaphore_mem>>) src(%dma_wait3A_70 : memref<8192x64xf32, #tpu.memory_space<hbm>>) dst(%arg10 : memref<128x64xf32, #tpu.memory_space<vmem>>)
      %add3A_71 = arith.constant 1 : i32
      %add3A_72 = arith.addi %mul3A_17, %add3A_71 : i32
      %min3A_73 = arith.constant 15 : i32
      %min3A_74 = arith.minsi %add3A_72, %min3A_73 : i32
      %mul3A_75 = arith.constant 128 : i32
      %mul3A_76 = arith.muli %min3A_74, %mul3A_75 : i32
      %dma_start3A_77 = tpu.memref_slice %arg7[%mul3A_76] : memref<2048xi32, #tpu.memory_space<vmem>> -> memref<128xi32, #tpu.memory_space<vmem>>
      %dma_start3A_78 = arith.constant 0 : i32
      %dma_start3A_79 = arith.constant 0 : i32
      %dma_start3A_80 = tpu.memref_slice %arg5[%dma_start3A_78, %dma_start3A_79] : memref<8192x64xf32, #tpu.memory_space<hbm>> -> memref<8192x64xf32, #tpu.memory_space<hbm>>
      tpu.enqueue_indirect_dma source(%dma_start3A_80 : memref<8192x64xf32, #tpu.memory_space<hbm>>) target(%arg11 : memref<128x64xf32, #tpu.memory_space<vmem>>) offsets(%dma_start3A_77 : memref<128xi32, #tpu.memory_space<vmem>>) semaphore(%arg13 : memref<!tpu.dma_semaphore, #tpu.memory_space<semaphore_mem>>)
      %add3A_81 = arith.constant 131072 : i32
      %add3A_82 = arith.addi %add3A_81, %mul3A_2 : i32
      %mul3A_83 = arith.constant 128 : i32
      %mul3A_84 = arith.muli %add3A_64, %mul3A_83 : i32
      %add3A_85 = arith.addi %add3A_82, %mul3A_84 : i32
      "tpu.region"() ({
        %run_scoped3A = tpu.sem_alloc : memref<!tpu.dma_semaphore, #tpu.memory_space<semaphore_mem>>
        %dma_start3A_155 = arith.constant 0 : i32
        %dma_start3A_156 = tpu.memref_slice %arg6[%add3A_85, %dma_start3A_155] : memref<196608x128xf32, #tpu.memory_space<hbm>> -> memref<128x64xf32, #tpu.memory_space<hbm>>
        %dma_start3A_157 = arith.constant 0 : i32
        %dma_start3A_158 = tpu.memref_slice %arg6[%add3A_85, %dma_start3A_157] : memref<196608x128xf32, #tpu.memory_space<hbm>> -> memref<128x64xf32, #tpu.memory_space<hbm>>
        tpu.enqueue_dma source(%arg10 : memref<128x64xf32, #tpu.memory_space<vmem>>) target(%dma_start3A_158 : memref<128x64xf32, #tpu.memory_space<hbm>>) target_semaphore(%run_scoped3A : memref<!tpu.dma_semaphore, #tpu.memory_space<semaphore_mem>>)
        %dma_wait3A_159 = arith.constant 0 : i32
        %dma_wait3A_160 = tpu.memref_slice %arg6[%add3A_85, %dma_wait3A_159] : memref<196608x128xf32, #tpu.memory_space<hbm>> -> memref<128x64xf32, #tpu.memory_space<hbm>>
        %dma_wait3A_161 = arith.constant 0 : i32
        %dma_wait3A_162 = tpu.memref_slice %arg6[%add3A_85, %dma_wait3A_161] : memref<196608x128xf32, #tpu.memory_space<hbm>> -> memref<128x64xf32, #tpu.memory_space<hbm>>
        tpu.wait_dma2 semaphore(%run_scoped3A : memref<!tpu.dma_semaphore, #tpu.memory_space<semaphore_mem>>) src(%arg10 : memref<128x64xf32, #tpu.memory_space<vmem>>) dst(%dma_wait3A_162 : memref<128x64xf32, #tpu.memory_space<hbm>>)
        tpu.yield
      }) : () -> ()
      %add3A_86 = arith.constant 1 : i32
      %add3A_87 = arith.addi %mul3A_17, %add3A_86 : i32
      %mul3A_88 = arith.constant 128 : i32
      %mul3A_89 = arith.muli %add3A_87, %mul3A_88 : i32
      %dma_wait3A_90 = tpu.memref_slice %arg7[%mul3A_89] : memref<2048xi32, #tpu.memory_space<vmem>> -> memref<128xi32, #tpu.memory_space<vmem>>
      %dma_wait3A_91 = arith.constant 0 : i32
      %dma_wait3A_92 = arith.constant 0 : i32
      %dma_wait3A_93 = tpu.memref_slice %arg5[%dma_wait3A_91, %dma_wait3A_92] : memref<8192x64xf32, #tpu.memory_space<hbm>> -> memref<8192x64xf32, #tpu.memory_space<hbm>>
      tpu.wait_indirect_dma semaphore(%arg13 : memref<!tpu.dma_semaphore, #tpu.memory_space<semaphore_mem>>) src(%dma_wait3A_93 : memref<8192x64xf32, #tpu.memory_space<hbm>>) dst(%arg11 : memref<128x64xf32, #tpu.memory_space<vmem>>)
      %add3A_94 = arith.constant 1 : i32
      %add3A_95 = arith.addi %mul3A_17, %add3A_94 : i32
      %min3A_96 = arith.constant 15 : i32
      %min3A_97 = arith.minsi %add3A_95, %min3A_96 : i32
      %mul3A_98 = arith.constant 128 : i32
      %mul3A_99 = arith.muli %min3A_97, %mul3A_98 : i32
      %dma_start3A_100 = tpu.memref_slice %arg8[%mul3A_99] : memref<2048xi32, #tpu.memory_space<vmem>> -> memref<128xi32, #tpu.memory_space<vmem>>
      %dma_start3A_101 = arith.constant 0 : i32
      %dma_start3A_102 = arith.constant 0 : i32
      %dma_start3A_103 = tpu.memref_slice %arg5[%dma_start3A_101, %dma_start3A_102] : memref<8192x64xf32, #tpu.memory_space<hbm>> -> memref<8192x64xf32, #tpu.memory_space<hbm>>
      tpu.enqueue_indirect_dma source(%dma_start3A_103 : memref<8192x64xf32, #tpu.memory_space<hbm>>) target(%arg10 : memref<128x64xf32, #tpu.memory_space<vmem>>) offsets(%dma_start3A_100 : memref<128xi32, #tpu.memory_space<vmem>>) semaphore(%arg12 : memref<!tpu.dma_semaphore, #tpu.memory_space<semaphore_mem>>)
      %add3A_104 = arith.constant 0 : i32
      %add3A_105 = arith.addi %add3A_104, %mul3A_2 : i32
      %mul3A_106 = arith.constant 128 : i32
      %mul3A_107 = arith.muli %add3A_87, %mul3A_106 : i32
      %add3A_108 = arith.addi %add3A_105, %mul3A_107 : i32
      "tpu.region"() ({
        %run_scoped3A = tpu.sem_alloc : memref<!tpu.dma_semaphore, #tpu.memory_space<semaphore_mem>>
        %dma_start3A_155 = arith.constant 0 : i32
        %dma_start3A_156 = tpu.memref_slice %arg6[%add3A_108, %dma_start3A_155] : memref<196608x128xf32, #tpu.memory_space<hbm>> -> memref<128x64xf32, #tpu.memory_space<hbm>>
        %dma_start3A_157 = arith.constant 0 : i32
        %dma_start3A_158 = tpu.memref_slice %arg6[%add3A_108, %dma_start3A_157] : memref<196608x128xf32, #tpu.memory_space<hbm>> -> memref<128x64xf32, #tpu.memory_space<hbm>>
        tpu.enqueue_dma source(%arg11 : memref<128x64xf32, #tpu.memory_space<vmem>>) target(%dma_start3A_158 : memref<128x64xf32, #tpu.memory_space<hbm>>) target_semaphore(%run_scoped3A : memref<!tpu.dma_semaphore, #tpu.memory_space<semaphore_mem>>)
        %dma_wait3A_159 = arith.constant 0 : i32
        %dma_wait3A_160 = tpu.memref_slice %arg6[%add3A_108, %dma_wait3A_159] : memref<196608x128xf32, #tpu.memory_space<hbm>> -> memref<128x64xf32, #tpu.memory_space<hbm>>
        %dma_wait3A_161 = arith.constant 0 : i32
        %dma_wait3A_162 = tpu.memref_slice %arg6[%add3A_108, %dma_wait3A_161] : memref<196608x128xf32, #tpu.memory_space<hbm>> -> memref<128x64xf32, #tpu.memory_space<hbm>>
        tpu.wait_dma2 semaphore(%run_scoped3A : memref<!tpu.dma_semaphore, #tpu.memory_space<semaphore_mem>>) src(%arg11 : memref<128x64xf32, #tpu.memory_space<vmem>>) dst(%dma_wait3A_162 : memref<128x64xf32, #tpu.memory_space<hbm>>)
        tpu.yield
      }) : () -> ()
      %add3A_109 = arith.constant 1 : i32
      %add3A_110 = arith.addi %mul3A_17, %add3A_109 : i32
      %mul3A_111 = arith.constant 128 : i32
      %mul3A_112 = arith.muli %add3A_110, %mul3A_111 : i32
      %dma_wait3A_113 = tpu.memref_slice %arg8[%mul3A_112] : memref<2048xi32, #tpu.memory_space<vmem>> -> memref<128xi32, #tpu.memory_space<vmem>>
      %dma_wait3A_114 = arith.constant 0 : i32
      %dma_wait3A_115 = arith.constant 0 : i32
      %dma_wait3A_116 = tpu.memref_slice %arg5[%dma_wait3A_114, %dma_wait3A_115] : memref<8192x64xf32, #tpu.memory_space<hbm>> -> memref<8192x64xf32, #tpu.memory_space<hbm>>
      tpu.wait_indirect_dma semaphore(%arg12 : memref<!tpu.dma_semaphore, #tpu.memory_space<semaphore_mem>>) src(%dma_wait3A_116 : memref<8192x64xf32, #tpu.memory_space<hbm>>) dst(%arg10 : memref<128x64xf32, #tpu.memory_space<vmem>>)
      %add3A_117 = arith.constant 1 : i32
      %add3A_118 = arith.addi %mul3A_17, %add3A_117 : i32
      %min3A_119 = arith.constant 15 : i32
      %min3A_120 = arith.minsi %add3A_118, %min3A_119 : i32
      %mul3A_121 = arith.constant 128 : i32
      %mul3A_122 = arith.muli %min3A_120, %mul3A_121 : i32
      %dma_start3A_123 = tpu.memref_slice %arg9[%mul3A_122] : memref<2048xi32, #tpu.memory_space<vmem>> -> memref<128xi32, #tpu.memory_space<vmem>>
      %dma_start3A_124 = arith.constant 0 : i32
      %dma_start3A_125 = arith.constant 0 : i32
      %dma_start3A_126 = tpu.memref_slice %arg5[%dma_start3A_124, %dma_start3A_125] : memref<8192x64xf32, #tpu.memory_space<hbm>> -> memref<8192x64xf32, #tpu.memory_space<hbm>>
      tpu.enqueue_indirect_dma source(%dma_start3A_126 : memref<8192x64xf32, #tpu.memory_space<hbm>>) target(%arg11 : memref<128x64xf32, #tpu.memory_space<vmem>>) offsets(%dma_start3A_123 : memref<128xi32, #tpu.memory_space<vmem>>) semaphore(%arg13 : memref<!tpu.dma_semaphore, #tpu.memory_space<semaphore_mem>>)
      %add3A_127 = arith.constant 65536 : i32
      %add3A_128 = arith.addi %add3A_127, %mul3A_2 : i32
      %mul3A_129 = arith.constant 128 : i32
      %mul3A_130 = arith.muli %add3A_110, %mul3A_129 : i32
      %add3A_131 = arith.addi %add3A_128, %mul3A_130 : i32
      "tpu.region"() ({
        %run_scoped3A = tpu.sem_alloc : memref<!tpu.dma_semaphore, #tpu.memory_space<semaphore_mem>>
        %dma_start3A_155 = arith.constant 0 : i32
        %dma_start3A_156 = tpu.memref_slice %arg6[%add3A_131, %dma_start3A_155] : memref<196608x128xf32, #tpu.memory_space<hbm>> -> memref<128x64xf32, #tpu.memory_space<hbm>>
        %dma_start3A_157 = arith.constant 0 : i32
        %dma_start3A_158 = tpu.memref_slice %arg6[%add3A_131, %dma_start3A_157] : memref<196608x128xf32, #tpu.memory_space<hbm>> -> memref<128x64xf32, #tpu.memory_space<hbm>>
        tpu.enqueue_dma source(%arg10 : memref<128x64xf32, #tpu.memory_space<vmem>>) target(%dma_start3A_158 : memref<128x64xf32, #tpu.memory_space<hbm>>) target_semaphore(%run_scoped3A : memref<!tpu.dma_semaphore, #tpu.memory_space<semaphore_mem>>)
        %dma_wait3A_159 = arith.constant 0 : i32
        %dma_wait3A_160 = tpu.memref_slice %arg6[%add3A_131, %dma_wait3A_159] : memref<196608x128xf32, #tpu.memory_space<hbm>> -> memref<128x64xf32, #tpu.memory_space<hbm>>
        %dma_wait3A_161 = arith.constant 0 : i32
        %dma_wait3A_162 = tpu.memref_slice %arg6[%add3A_131, %dma_wait3A_161] : memref<196608x128xf32, #tpu.memory_space<hbm>> -> memref<128x64xf32, #tpu.memory_space<hbm>>
        tpu.wait_dma2 semaphore(%run_scoped3A : memref<!tpu.dma_semaphore, #tpu.memory_space<semaphore_mem>>) src(%arg10 : memref<128x64xf32, #tpu.memory_space<vmem>>) dst(%dma_wait3A_162 : memref<128x64xf32, #tpu.memory_space<hbm>>)
        tpu.yield
      }) : () -> ()
      %add3A_132 = arith.constant 1 : i32
      %add3A_133 = arith.addi %mul3A_17, %add3A_132 : i32
      %mul3A_134 = arith.constant 128 : i32
      %mul3A_135 = arith.muli %add3A_133, %mul3A_134 : i32
      %dma_wait3A_136 = tpu.memref_slice %arg9[%mul3A_135] : memref<2048xi32, #tpu.memory_space<vmem>> -> memref<128xi32, #tpu.memory_space<vmem>>
      %dma_wait3A_137 = arith.constant 0 : i32
      %dma_wait3A_138 = arith.constant 0 : i32
      %dma_wait3A_139 = tpu.memref_slice %arg5[%dma_wait3A_137, %dma_wait3A_138] : memref<8192x64xf32, #tpu.memory_space<hbm>> -> memref<8192x64xf32, #tpu.memory_space<hbm>>
      tpu.wait_indirect_dma semaphore(%arg13 : memref<!tpu.dma_semaphore, #tpu.memory_space<semaphore_mem>>) src(%dma_wait3A_139 : memref<8192x64xf32, #tpu.memory_space<hbm>>) dst(%arg11 : memref<128x64xf32, #tpu.memory_space<vmem>>)
      %add3A_140 = arith.constant 2 : i32
      %add3A_141 = arith.addi %mul3A_17, %add3A_140 : i32
      %min3A_142 = arith.constant 15 : i32
      %min3A_143 = arith.minsi %add3A_141, %min3A_142 : i32
      %mul3A_144 = arith.constant 128 : i32
      %mul3A_145 = arith.muli %min3A_143, %mul3A_144 : i32
      %dma_start3A_146 = tpu.memref_slice %arg7[%mul3A_145] : memref<2048xi32, #tpu.memory_space<vmem>> -> memref<128xi32, #tpu.memory_space<vmem>>
      %dma_start3A_147 = arith.constant 0 : i32
      %dma_start3A_148 = arith.constant 0 : i32
      %dma_start3A_149 = tpu.memref_slice %arg5[%dma_start3A_147, %dma_start3A_148] : memref<8192x64xf32, #tpu.memory_space<hbm>> -> memref<8192x64xf32, #tpu.memory_space<hbm>>
      tpu.enqueue_indirect_dma source(%dma_start3A_149 : memref<8192x64xf32, #tpu.memory_space<hbm>>) target(%arg10 : memref<128x64xf32, #tpu.memory_space<vmem>>) offsets(%dma_start3A_146 : memref<128xi32, #tpu.memory_space<vmem>>) semaphore(%arg12 : memref<!tpu.dma_semaphore, #tpu.memory_space<semaphore_mem>>)
      %add3A_150 = arith.constant 131072 : i32
      %add3A_151 = arith.addi %add3A_150, %mul3A_2 : i32
      %mul3A_152 = arith.constant 128 : i32
      %mul3A_153 = arith.muli %add3A_133, %mul3A_152 : i32
      %add3A_154 = arith.addi %add3A_151, %mul3A_153 : i32
      "tpu.region"() ({
        %run_scoped3A = tpu.sem_alloc : memref<!tpu.dma_semaphore, #tpu.memory_space<semaphore_mem>>
        %dma_start3A_155 = arith.constant 0 : i32
        %dma_start3A_156 = tpu.memref_slice %arg6[%add3A_154, %dma_start3A_155] : memref<196608x128xf32, #tpu.memory_space<hbm>> -> memref<128x64xf32, #tpu.memory_space<hbm>>
        %dma_start3A_157 = arith.constant 0 : i32
        %dma_start3A_158 = tpu.memref_slice %arg6[%add3A_154, %dma_start3A_157] : memref<196608x128xf32, #tpu.memory_space<hbm>> -> memref<128x64xf32, #tpu.memory_space<hbm>>
        tpu.enqueue_dma source(%arg11 : memref<128x64xf32, #tpu.memory_space<vmem>>) target(%dma_start3A_158 : memref<128x64xf32, #tpu.memory_space<hbm>>) target_semaphore(%run_scoped3A : memref<!tpu.dma_semaphore, #tpu.memory_space<semaphore_mem>>)
        %dma_wait3A_159 = arith.constant 0 : i32
        %dma_wait3A_160 = tpu.memref_slice %arg6[%add3A_154, %dma_wait3A_159] : memref<196608x128xf32, #tpu.memory_space<hbm>> -> memref<128x64xf32, #tpu.memory_space<hbm>>
        %dma_wait3A_161 = arith.constant 0 : i32
        %dma_wait3A_162 = tpu.memref_slice %arg6[%add3A_154, %dma_wait3A_161] : memref<196608x128xf32, #tpu.memory_space<hbm>> -> memref<128x64xf32, #tpu.memory_space<hbm>>
        tpu.wait_dma2 semaphore(%run_scoped3A : memref<!tpu.dma_semaphore, #tpu.memory_space<semaphore_mem>>) src(%arg11 : memref<128x64xf32, #tpu.memory_space<vmem>>) dst(%dma_wait3A_162 : memref<128x64xf32, #tpu.memory_space<hbm>>)
        tpu.yield
      }) : () -> ()
    }
    %scan3A_10 = arith.constant 8 : i32
    %dma_wait3A = arith.constant 1920 : i32
    %dma_wait3A_11 = tpu.memref_slice %arg7[%dma_wait3A] : memref<2048xi32, #tpu.memory_space<vmem>> -> memref<128xi32, #tpu.memory_space<vmem>>
    %dma_wait3A_12 = arith.constant 0 : i32
    %dma_wait3A_13 = arith.constant 0 : i32
    %dma_wait3A_14 = tpu.memref_slice %arg5[%dma_wait3A_12, %dma_wait3A_13] : memref<8192x64xf32, #tpu.memory_space<hbm>> -> memref<8192x64xf32, #tpu.memory_space<hbm>>
    tpu.wait_indirect_dma semaphore(%arg12 : memref<!tpu.dma_semaphore, #tpu.memory_space<semaphore_mem>>) src(%dma_wait3A_14 : memref<8192x64xf32, #tpu.memory_space<hbm>>) dst(%arg10 : memref<128x64xf32, #tpu.memory_space<vmem>>)
    return
  }
}

module attributes {stable_mosaic.version = 14 : i64} {
  func.func @_p1_body(%arg0: i32, %arg1: i32, %arg2: memref<1x3x1024xf32, #tpu.memory_space<vmem>>, %arg3: memref<1x1024x3xf32, #tpu.memory_space<vmem>>, %arg4: memref<1x3x1024xf32, #tpu.memory_space<vmem>>, %arg5: memref<1x8x1024xf32, #tpu.memory_space<vmem>>, %arg6: memref<1024xi32, #tpu.memory_space<vmem>>, %arg7: memref<1024xi32, #tpu.memory_space<vmem>>, %arg8: memref<1024xi32, #tpu.memory_space<vmem>>) attributes {dimension_semantics = [#tpu.dimension_semantics<arbitrary>, #tpu.dimension_semantics<arbitrary>], iteration_bounds = array<i64: 8, 8>, scalar_prefetch = 0 : i64, scratch_operands = 0 : i64, tpu.core_type = #tpu.core_type<tc>, window_params = [{transform_indices = @transform_0, window_bounds = array<i64: 1, 3, 1024>}, {transform_indices = @transform_1, window_bounds = array<i64: 1, 1024, 3>}, {transform_indices = @transform_2, window_bounds = array<i64: 1, 3, 1024>}, {transform_indices = @transform_3, window_bounds = array<i64: 1, 8, 1024>}, {transform_indices = @transform_4, window_bounds = array<i64: 1024>}, {transform_indices = @transform_5, window_bounds = array<i64: 1024>}, {transform_indices = @transform_6, window_bounds = array<i64: 1024>}]} {
    %get3A = arith.constant 0 : index
    %get3A_0 = arith.constant 0 : index
    %get3A_1 = arith.constant 0 : index
    %get3A_2 = vector.load %arg2[%get3A, %get3A_0, %get3A_1] : memref<1x3x1024xf32, #tpu.memory_space<vmem>>, vector<1x3x1024xf32>
    %get3A_3 = vector.shape_cast %get3A_2 : vector<1x3x1024xf32> to vector<3x1024xf32>
    %get3A_4 = arith.constant 0 : index
    %get3A_5 = arith.constant 0 : index
    %get3A_6 = arith.constant 0 : index
    %get3A_7 = vector.load %arg3[%get3A_4, %get3A_5, %get3A_6] : memref<1x1024x3xf32, #tpu.memory_space<vmem>>, vector<1x1024x3xf32>
    %get3A_8 = vector.shape_cast %get3A_7 : vector<1x1024x3xf32> to vector<1024x3xf32>
    %get3A_9 = arith.constant 0 : index
    %get3A_10 = arith.constant 0 : index
    %get3A_11 = arith.constant 0 : index
    %get3A_12 = vector.load %arg4[%get3A_9, %get3A_10, %get3A_11] : memref<1x3x1024xf32, #tpu.memory_space<vmem>>, vector<1x3x1024xf32>
    %get3A_13 = vector.shape_cast %get3A_12 : vector<1x3x1024xf32> to vector<3x1024xf32>
    %mul3A = arith.mulf %get3A_13, %get3A_13 : vector<3x1024xf32>
    %slice3A = vector.extract_strided_slice %mul3A {offsets = [0, 0], sizes = [1, 1024], strides = [1, 1]} : vector<3x1024xf32> to vector<1x1024xf32>
    %slice3A_14 = vector.extract_strided_slice %mul3A {offsets = [1, 0], sizes = [1, 1024], strides = [1, 1]} : vector<3x1024xf32> to vector<1x1024xf32>
    %add3A = arith.addf %slice3A, %slice3A_14 : vector<1x1024xf32>
    %slice3A_15 = vector.extract_strided_slice %mul3A {offsets = [2, 0], sizes = [1, 1024], strides = [1, 1]} : vector<3x1024xf32> to vector<1x1024xf32>
    %add3A_16 = arith.addf %add3A, %slice3A_15 : vector<1x1024xf32>
    %mul3A_17 = arith.mulf %get3A_8, %get3A_8 : vector<1024x3xf32>
    %slice3A_18 = vector.extract_strided_slice %mul3A_17 {offsets = [0, 0], sizes = [1024, 1], strides = [1, 1]} : vector<1024x3xf32> to vector<1024x1xf32>
    %slice3A_19 = vector.extract_strided_slice %mul3A_17 {offsets = [0, 1], sizes = [1024, 1], strides = [1, 1]} : vector<1024x3xf32> to vector<1024x1xf32>
    %add3A_20 = arith.addf %slice3A_18, %slice3A_19 : vector<1024x1xf32>
    %slice3A_21 = vector.extract_strided_slice %mul3A_17 {offsets = [0, 2], sizes = [1024, 1], strides = [1, 1]} : vector<1024x3xf32> to vector<1024x1xf32>
    %add3A_22 = arith.addf %add3A_20, %slice3A_21 : vector<1024x1xf32>
    %dot_general3A = arith.constant dense<0.000000e+00> : vector<1024x1024xf32>
    %dot_general3A_23 = tpu.matmul %get3A_3, %get3A_13, %dot_general3A {dimension_numbers = #tpu.dot_dimension_numbers<[0], [0], [1], [1], [0, 1, 1, 1], [], []>, transpose_lhs_hint = false} : vector<3x1024xf32>, vector<3x1024xf32>, vector<1024x1024xf32> -> vector<1024x1024xf32>
    %add3A_24 = vector.broadcast %add3A_22 : vector<1024x1xf32> to vector<1024x1024xf32>
    %add3A_25 = vector.broadcast %add3A_16 : vector<1x1024xf32> to vector<1024x1024xf32>
    %add3A_26 = arith.addf %add3A_24, %add3A_25 : vector<1024x1024xf32>
    %mul3A_27 = arith.constant 2.000000e+00 : f32
    %mul3A_28 = vector.broadcast %mul3A_27 : f32 to vector<1024x1024xf32>
    %mul3A_29 = arith.mulf %mul3A_28, %dot_general3A_23 : vector<1024x1024xf32>
    %sub3A = arith.subf %add3A_26, %mul3A_29 : vector<1024x1024xf32>
    %max3A = arith.constant 0.000000e+00 : f32
    %max3A_30 = vector.broadcast %max3A : f32 to vector<1024x1024xf32>
    %max3A_31 = arith.maximumf %sub3A, %max3A_30 : vector<1024x1024xf32>
    %iota3A = tpu.iota {dimensions = array<i32: 1>} : vector<1024x1024xi32>
    %convert_element_type3A = arith.sitofp %iota3A : vector<1024x1024xi32> to vector<1024x1024xf32>
    %broadcast_in_dim3A = arith.constant 0.000000e+00 : f32
    %broadcast_in_dim3A_32 = vector.broadcast %broadcast_in_dim3A : f32 to vector<1024x1xf32>
    %reduce_min3A = arith.constant dense<0x7F800000> : vector<1024xf32>
    %reduce_min3A_33 = vector.multi_reduction <minimumf>, %max3A_31, %reduce_min3A [1] : vector<1024x1024xf32> to vector<1024xf32>
    %broadcast_in_dim3A_34 = vector.shape_cast %reduce_min3A_33 : vector<1024xf32> to vector<1024x1xf32>
    %eq3A = vector.broadcast %broadcast_in_dim3A_34 : vector<1024x1xf32> to vector<1024x1024xf32>
    %eq3A_35 = arith.cmpf oeq, %max3A_31, %eq3A : vector<1024x1024xf32>
    %jit3A = arith.constant 1.024000e+03 : f32
    %broadcast_in_dim3A_36 = vector.broadcast %jit3A : f32 to vector<1024x1024xf32>
    %select_n3A = arith.select %eq3A_35, %convert_element_type3A, %broadcast_in_dim3A_36 : vector<1024x1024xi1>, vector<1024x1024xf32>
    %reduce_min3A_37 = arith.constant dense<0x7F800000> : vector<1024xf32>
    %reduce_min3A_38 = vector.multi_reduction <minimumf>, %select_n3A, %reduce_min3A_37 [1] : vector<1024x1024xf32> to vector<1024xf32>
    %broadcast_in_dim3A_39 = vector.shape_cast %reduce_min3A_38 : vector<1024xf32> to vector<1024x1xf32>
    %eq3A_40 = vector.broadcast %broadcast_in_dim3A_39 : vector<1024x1xf32> to vector<1024x1024xf32>
    %eq3A_41 = arith.cmpf oeq, %select_n3A, %eq3A_40 : vector<1024x1024xf32>
    %jit3A_42 = arith.constant 0x7F800000 : f32
    %broadcast_in_dim3A_43 = vector.broadcast %jit3A_42 : f32 to vector<1024x1024xf32>
    %select_n3A_44 = arith.select %eq3A_41, %broadcast_in_dim3A_43, %max3A_31 : vector<1024x1024xi1>, vector<1024x1024xf32>
    %add3A_45 = arith.constant 9.99999993E-9 : f32
    %add3A_46 = vector.broadcast %add3A_45 : f32 to vector<1024x1xf32>
    %add3A_47 = arith.addf %broadcast_in_dim3A_34, %add3A_46 : vector<1024x1xf32>
    %div3A = arith.constant 1.000000e+00 : f32
    %div3A_48 = vector.broadcast %div3A : f32 to vector<1024x1xf32>
    %div3A_49 = arith.divf %div3A_48, %add3A_47 : vector<1024x1xf32>
    %add3A_50 = arith.addf %broadcast_in_dim3A_32, %div3A_49 : vector<1024x1xf32>
    %reduce_min3A_51 = arith.constant dense<0x7F800000> : vector<1024xf32>
    %reduce_min3A_52 = vector.multi_reduction <minimumf>, %select_n3A_44, %reduce_min3A_51 [1] : vector<1024x1024xf32> to vector<1024xf32>
    %broadcast_in_dim3A_53 = vector.shape_cast %reduce_min3A_52 : vector<1024xf32> to vector<1024x1xf32>
    %eq3A_54 = vector.broadcast %broadcast_in_dim3A_53 : vector<1024x1xf32> to vector<1024x1024xf32>
    %eq3A_55 = arith.cmpf oeq, %select_n3A_44, %eq3A_54 : vector<1024x1024xf32>
    %jit3A_56 = arith.constant 1.024000e+03 : f32
    %broadcast_in_dim3A_57 = vector.broadcast %jit3A_56 : f32 to vector<1024x1024xf32>
    %select_n3A_58 = arith.select %eq3A_55, %convert_element_type3A, %broadcast_in_dim3A_57 : vector<1024x1024xi1>, vector<1024x1024xf32>
    %reduce_min3A_59 = arith.constant dense<0x7F800000> : vector<1024xf32>
    %reduce_min3A_60 = vector.multi_reduction <minimumf>, %select_n3A_58, %reduce_min3A_59 [1] : vector<1024x1024xf32> to vector<1024xf32>
    %broadcast_in_dim3A_61 = vector.shape_cast %reduce_min3A_60 : vector<1024xf32> to vector<1024x1xf32>
    %eq3A_62 = vector.broadcast %broadcast_in_dim3A_61 : vector<1024x1xf32> to vector<1024x1024xf32>
    %eq3A_63 = arith.cmpf oeq, %select_n3A_58, %eq3A_62 : vector<1024x1024xf32>
    %jit3A_64 = arith.constant 0x7F800000 : f32
    %broadcast_in_dim3A_65 = vector.broadcast %jit3A_64 : f32 to vector<1024x1024xf32>
    %select_n3A_66 = arith.select %eq3A_63, %broadcast_in_dim3A_65, %select_n3A_44 : vector<1024x1024xi1>, vector<1024x1024xf32>
    %add3A_67 = arith.constant 9.99999993E-9 : f32
    %add3A_68 = vector.broadcast %add3A_67 : f32 to vector<1024x1xf32>
    %add3A_69 = arith.addf %broadcast_in_dim3A_53, %add3A_68 : vector<1024x1xf32>
    %div3A_70 = arith.constant 1.000000e+00 : f32
    %div3A_71 = vector.broadcast %div3A_70 : f32 to vector<1024x1xf32>
    %div3A_72 = arith.divf %div3A_71, %add3A_69 : vector<1024x1xf32>
    %add3A_73 = arith.addf %add3A_50, %div3A_72 : vector<1024x1xf32>
    %reduce_min3A_74 = arith.constant dense<0x7F800000> : vector<1024xf32>
    %reduce_min3A_75 = vector.multi_reduction <minimumf>, %select_n3A_66, %reduce_min3A_74 [1] : vector<1024x1024xf32> to vector<1024xf32>
    %broadcast_in_dim3A_76 = vector.shape_cast %reduce_min3A_75 : vector<1024xf32> to vector<1024x1xf32>
    %eq3A_77 = vector.broadcast %broadcast_in_dim3A_76 : vector<1024x1xf32> to vector<1024x1024xf32>
    %eq3A_78 = arith.cmpf oeq, %select_n3A_66, %eq3A_77 : vector<1024x1024xf32>
    %jit3A_79 = arith.constant 1.024000e+03 : f32
    %broadcast_in_dim3A_80 = vector.broadcast %jit3A_79 : f32 to vector<1024x1024xf32>
    %select_n3A_81 = arith.select %eq3A_78, %convert_element_type3A, %broadcast_in_dim3A_80 : vector<1024x1024xi1>, vector<1024x1024xf32>
    %reduce_min3A_82 = arith.constant dense<0x7F800000> : vector<1024xf32>
    %reduce_min3A_83 = vector.multi_reduction <minimumf>, %select_n3A_81, %reduce_min3A_82 [1] : vector<1024x1024xf32> to vector<1024xf32>
    %broadcast_in_dim3A_84 = vector.shape_cast %reduce_min3A_83 : vector<1024xf32> to vector<1024x1xf32>
    %add3A_85 = arith.constant 9.99999993E-9 : f32
    %add3A_86 = vector.broadcast %add3A_85 : f32 to vector<1024x1xf32>
    %add3A_87 = arith.addf %broadcast_in_dim3A_76, %add3A_86 : vector<1024x1xf32>
    %div3A_88 = arith.constant 1.000000e+00 : f32
    %div3A_89 = vector.broadcast %div3A_88 : f32 to vector<1024x1xf32>
    %div3A_90 = arith.divf %div3A_89, %add3A_87 : vector<1024x1xf32>
    %add3A_91 = arith.addf %add3A_73, %div3A_90 : vector<1024x1xf32>
    %div3A_92 = arith.constant 1.000000e+00 : f32
    %div3A_93 = vector.broadcast %div3A_92 : f32 to vector<1024x1xf32>
    %div3A_94 = arith.divf %div3A_93, %add3A_91 : vector<1024x1xf32>
    %convert_element_type3A_95 = arith.sitofp %arg0 : i32 to f32
    %mul3A_96 = arith.constant 1.024000e+03 : f32
    %mul3A_97 = arith.mulf %mul3A_96, %convert_element_type3A_95 : f32
    %add3A_98 = vector.broadcast %mul3A_97 : f32 to vector<1024x1xf32>
    %add3A_99 = arith.addf %broadcast_in_dim3A_39, %add3A_98 : vector<1024x1xf32>
    %add3A_100 = vector.broadcast %mul3A_97 : f32 to vector<1024x1xf32>
    %add3A_101 = arith.addf %broadcast_in_dim3A_61, %add3A_100 : vector<1024x1xf32>
    %add3A_102 = vector.broadcast %mul3A_97 : f32 to vector<1024x1xf32>
    %add3A_103 = arith.addf %broadcast_in_dim3A_84, %add3A_102 : vector<1024x1xf32>
    %mul3A_104 = arith.mulf %div3A_49, %div3A_94 : vector<1024x1xf32>
    %mul3A_105 = arith.mulf %div3A_72, %div3A_94 : vector<1024x1xf32>
    %mul3A_106 = arith.mulf %div3A_90, %div3A_94 : vector<1024x1xf32>
    %broadcast_in_dim3A_107 = arith.constant 0.000000e+00 : f32
    %broadcast_in_dim3A_108 = vector.broadcast %broadcast_in_dim3A_107 : f32 to vector<1024x2xf32>
    %concatenate3A = tpu.concatenate %add3A_99, %add3A_101, %add3A_103, %mul3A_104, %mul3A_105, %mul3A_106, %broadcast_in_dim3A_108 in 1 : vector<1024x1xf32>, vector<1024x1xf32>, vector<1024x1xf32>, vector<1024x1xf32>, vector<1024x1xf32>, vector<1024x1xf32>, vector<1024x2xf32> -> vector<1024x8xf32>
    %transpose3A = tpu.transpose %concatenate3A, [1, 0] : vector<1024x8xf32> -> vector<8x1024xf32>
    %swap3A = arith.constant 0 : index
    %swap3A_109 = arith.constant 0 : index
    %swap3A_110 = arith.constant 0 : index
    %swap3A_111 = vector.load %arg5[%swap3A, %swap3A_109, %swap3A_110] : memref<1x8x1024xf32, #tpu.memory_space<vmem>>, vector<1x8x1024xf32>
    %swap3A_112 = vector.shape_cast %swap3A_111 : vector<1x8x1024xf32> to vector<8x1024xf32>
    %swap3A_113 = vector.shape_cast %transpose3A : vector<8x1024xf32> to vector<1x8x1024xf32>
    tpu.vector_store %arg5[%swap3A, %swap3A_109, %swap3A_110], %swap3A_113 {strides = array<i32>} : memref<1x8x1024xf32, #tpu.memory_space<vmem>>, vector<1x8x1024xf32>,
    %slice3A_114 = vector.extract_strided_slice %transpose3A {offsets = [0, 0], sizes = [1, 1024], strides = [1, 1]} : vector<8x1024xf32> to vector<1x1024xf32>
    %convert_element_type3A_115 = arith.fptosi %slice3A_114 : vector<1x1024xf32> to vector<1x1024xi32>
    %reshape3A = vector.shape_cast %convert_element_type3A_115 : vector<1x1024xi32> to vector<1024xi32>
    %swap3A_116 = arith.constant 0 : index
    %swap3A_117 = vector.load %arg6[%swap3A_116] : memref<1024xi32, #tpu.memory_space<vmem>>, vector<1024xi32>
    tpu.vector_store %arg6[%swap3A_116], %reshape3A {strides = array<i32>} : memref<1024xi32, #tpu.memory_space<vmem>>, vector<1024xi32>,
    %slice3A_118 = vector.extract_strided_slice %transpose3A {offsets = [1, 0], sizes = [1, 1024], strides = [1, 1]} : vector<8x1024xf32> to vector<1x1024xf32>
    %convert_element_type3A_119 = arith.fptosi %slice3A_118 : vector<1x1024xf32> to vector<1x1024xi32>
    %reshape3A_120 = vector.shape_cast %convert_element_type3A_119 : vector<1x1024xi32> to vector<1024xi32>
    %swap3A_121 = arith.constant 0 : index
    %swap3A_122 = vector.load %arg7[%swap3A_121] : memref<1024xi32, #tpu.memory_space<vmem>>, vector<1024xi32>
    tpu.vector_store %arg7[%swap3A_121], %reshape3A_120 {strides = array<i32>} : memref<1024xi32, #tpu.memory_space<vmem>>, vector<1024xi32>,
    %slice3A_123 = vector.extract_strided_slice %transpose3A {offsets = [2, 0], sizes = [1, 1024], strides = [1, 1]} : vector<8x1024xf32> to vector<1x1024xf32>
    %convert_element_type3A_124 = arith.fptosi %slice3A_123 : vector<1x1024xf32> to vector<1x1024xi32>
    %reshape3A_125 = vector.shape_cast %convert_element_type3A_124 : vector<1x1024xi32> to vector<1024xi32>
    %swap3A_126 = arith.constant 0 : index
    %swap3A_127 = vector.load %arg8[%swap3A_126] : memref<1024xi32, #tpu.memory_space<vmem>>, vector<1024xi32>
    tpu.vector_store %arg8[%swap3A_126], %reshape3A_125 {strides = array<i32>} : memref<1024xi32, #tpu.memory_space<vmem>>, vector<1024xi32>,
    return
  }
  func.func @transform_0(%arg0: i32, %arg1: i32) -> (i32, i32, i32) {
    %c0_i32 = arith.constant 0 : i32
    %c0_i32_0 = arith.constant 0 : i32
    return %arg0, %c0_i32, %arg1 : i32, i32, i32
  }
  func.func @transform_1(%arg0: i32, %arg1: i32) -> (i32, i32, i32) {
    %c0_i32 = arith.constant 0 : i32
    %c0_i32_0 = arith.constant 0 : i32
    return %arg0, %arg1, %c0_i32 : i32, i32, i32
  }
  func.func @transform_2(%arg0: i32, %arg1: i32) -> (i32, i32, i32) {
    %c0_i32 = arith.constant 0 : i32
    %c0_i32_0 = arith.constant 0 : i32
    %c0_i32_1 = arith.constant 0 : i32
    return %arg0, %c0_i32, %c0_i32_0 : i32, i32, i32
  }
  func.func @transform_3(%arg0: i32, %arg1: i32) -> (i32, i32, i32) {
    %c0_i32 = arith.constant 0 : i32
    %c0_i32_0 = arith.constant 0 : i32
    return %arg0, %c0_i32, %arg1 : i32, i32, i32
  }
  func.func @transform_4(%arg0: i32, %arg1: i32) -> i32 {
    %mul3A = arith.constant 8 : i32
    %mul3A_0 = arith.muli %arg0, %mul3A : i32
    %add3A = arith.addi %mul3A_0, %arg1 : i32
    %c0_i32 = arith.constant 0 : i32
    return %add3A : i32
  }
  func.func @transform_5(%arg0: i32, %arg1: i32) -> i32 {
    %mul3A = arith.constant 8 : i32
    %mul3A_0 = arith.muli %arg0, %mul3A : i32
    %add3A = arith.addi %mul3A_0, %arg1 : i32
    %c0_i32 = arith.constant 0 : i32
    return %add3A : i32
  }
  func.func @transform_6(%arg0: i32, %arg1: i32) -> i32 {
    %mul3A = arith.constant 8 : i32
    %mul3A_0 = arith.muli %arg0, %mul3A : i32
    %add3A = arith.addi %mul3A_0, %arg1 : i32
    %c0_i32 = arith.constant 0 : i32
    return %add3A : i32
  }
}

module attributes {stable_mosaic.version = 14 : i64} {
  func.func @_p2_body(%arg0: i32, %arg1: i32, %arg2: memref<1024x128xf32, #tpu.memory_space<vmem>>, %arg3: memref<1024x128xf32, #tpu.memory_space<vmem>>, %arg4: memref<1024x128xf32, #tpu.memory_space<vmem>>, %arg5: memref<1x8x1024xf32, #tpu.memory_space<vmem>>, %arg6: memref<1x64x1024xf32, #tpu.memory_space<vmem>>, %arg7: memref<64x128xf32, #tpu.memory_space<vmem>>, %arg8: memref<64x1xf32, #tpu.memory_space<vmem>>, %arg9: memref<1x64x1024xf32, #tpu.memory_space<vmem>>, %arg10: memref<64x1xf32, #tpu.memory_space<vmem>>, %arg11: memref<64x1xf32, #tpu.memory_space<vmem>>) attributes {dimension_semantics = [#tpu.dimension_semantics<arbitrary>, #tpu.dimension_semantics<arbitrary>], iteration_bounds = array<i64: 8, 8>, scalar_prefetch = 0 : i64, scratch_operands = 0 : i64, tpu.core_type = #tpu.core_type<tc>, window_params = [{transform_indices = @transform_0, window_bounds = array<i64: 1024, 128>}, {transform_indices = @transform_1, window_bounds = array<i64: 1024, 128>}, {transform_indices = @transform_2, window_bounds = array<i64: 1024, 128>}, {transform_indices = @transform_3, window_bounds = array<i64: 1, 8, 1024>}, {transform_indices = @transform_4, window_bounds = array<i64: 1, 64, 1024>}, {pipeline_mode = #tpu.pipeline_mode<synchronous>, transform_indices = @transform_5, window_bounds = array<i64: 64, 128>}, {pipeline_mode = #tpu.pipeline_mode<synchronous>, transform_indices = @transform_6, window_bounds = array<i64: 64, 1>}, {transform_indices = @transform_7, window_bounds = array<i64: 1, 64, 1024>}, {pipeline_mode = #tpu.pipeline_mode<synchronous>, transform_indices = @transform_8, window_bounds = array<i64: 64, 1>}, {pipeline_mode = #tpu.pipeline_mode<synchronous>, transform_indices = @transform_9, window_bounds = array<i64: 64, 1>}]} {
    %eq3A = arith.constant 0 : i32
    %eq3A_0 = arith.cmpi eq, %arg0, %eq3A : i32
    %eq3A_1 = arith.constant 0 : i32
    %eq3A_2 = arith.cmpi eq, %arg1, %eq3A_1 : i32
    %and3A = arith.andi %eq3A_0, %eq3A_2 : i1
    %convert_element_type3A = arith.extui %and3A : i1 to i32
    %cond3A = arith.constant 0 : i32
    %cond3A_3 = arith.cmpi ne, %convert_element_type3A, %cond3A : i32
    scf.if %cond3A_3 {
      %broadcast_in_dim3A_68 = arith.constant 0.000000e+00 : f32
      %broadcast_in_dim3A_69 = vector.broadcast %broadcast_in_dim3A_68 : f32 to vector<64x1xf32>
      %swap3A_70 = arith.constant 0 : index
      %swap3A_71 = arith.constant 0 : index
      %swap3A_72 = vector.load %arg10[%swap3A_70, %swap3A_71] : memref<64x1xf32, #tpu.memory_space<vmem>>, vector<64x1xf32>
      tpu.vector_store %arg10[%swap3A_70, %swap3A_71], %broadcast_in_dim3A_69 {strides = array<i32>} : memref<64x1xf32, #tpu.memory_space<vmem>>, vector<64x1xf32>,
      %broadcast_in_dim3A_73 = arith.constant 0.000000e+00 : f32
      %broadcast_in_dim3A_74 = vector.broadcast %broadcast_in_dim3A_73 : f32 to vector<64x1xf32>
      %swap3A_75 = arith.constant 0 : index
      %swap3A_76 = arith.constant 0 : index
      %swap3A_77 = vector.load %arg11[%swap3A_75, %swap3A_76] : memref<64x1xf32, #tpu.memory_space<vmem>>, vector<64x1xf32>
      tpu.vector_store %arg11[%swap3A_75, %swap3A_76], %broadcast_in_dim3A_74 {strides = array<i32>} : memref<64x1xf32, #tpu.memory_space<vmem>>, vector<64x1xf32>,
    } else {
    }
    %get3A = arith.constant 0 : index
    %get3A_4 = arith.constant 0 : index
    %get3A_5 = arith.constant 0 : index
    %get3A_6 = vector.load %arg5[%get3A, %get3A_4, %get3A_5] : memref<1x8x1024xf32, #tpu.memory_space<vmem>>, vector<1x8x1024xf32>
    %get3A_7 = vector.shape_cast %get3A_6 : vector<1x8x1024xf32> to vector<8x1024xf32>
    %transpose3A = tpu.transpose %get3A_7, [1, 0] : vector<8x1024xf32> -> vector<1024x8xf32>
    %slice3A = vector.extract_strided_slice %transpose3A {offsets = [0, 3], sizes = [1024, 1], strides = [1, 1]} : vector<1024x8xf32> to vector<1024x1xf32>
    %get3A_8 = arith.constant 0 : index
    %get3A_9 = arith.constant 0 : index
    %get3A_10 = vector.load %arg2[%get3A_8, %get3A_9] : memref<1024x128xf32, #tpu.memory_space<vmem>>, vector<1024x64xf32>
    %mul3A = vector.broadcast %slice3A : vector<1024x1xf32> to vector<1024x64xf32>
    %mul3A_11 = arith.mulf %mul3A, %get3A_10 : vector<1024x64xf32>
    %slice3A_12 = vector.extract_strided_slice %transpose3A {offsets = [0, 4], sizes = [1024, 1], strides = [1, 1]} : vector<1024x8xf32> to vector<1024x1xf32>
    %get3A_13 = arith.constant 0 : index
    %get3A_14 = arith.constant 0 : index
    %get3A_15 = vector.load %arg3[%get3A_13, %get3A_14] : memref<1024x128xf32, #tpu.memory_space<vmem>>, vector<1024x64xf32>
    %mul3A_16 = vector.broadcast %slice3A_12 : vector<1024x1xf32> to vector<1024x64xf32>
    %mul3A_17 = arith.mulf %mul3A_16, %get3A_15 : vector<1024x64xf32>
    %add3A = arith.addf %mul3A_11, %mul3A_17 : vector<1024x64xf32>
    %slice3A_18 = vector.extract_strided_slice %transpose3A {offsets = [0, 5], sizes = [1024, 1], strides = [1, 1]} : vector<1024x8xf32> to vector<1024x1xf32>
    %get3A_19 = arith.constant 0 : index
    %get3A_20 = arith.constant 0 : index
    %get3A_21 = vector.load %arg4[%get3A_19, %get3A_20] : memref<1024x128xf32, #tpu.memory_space<vmem>>, vector<1024x64xf32>
    %mul3A_22 = vector.broadcast %slice3A_18 : vector<1024x1xf32> to vector<1024x64xf32>
    %mul3A_23 = arith.mulf %mul3A_22, %get3A_21 : vector<1024x64xf32>
    %add3A_24 = arith.addf %add3A, %mul3A_23 : vector<1024x64xf32>
    %get3A_25 = arith.constant 0 : index
    %get3A_26 = arith.constant 0 : index
    %get3A_27 = vector.load %arg7[%get3A_25, %get3A_26] : memref<64x128xf32, #tpu.memory_space<vmem>>, vector<64x128xf32>
    %slice3A_28 = vector.extract_strided_slice %get3A_27 {offsets = [0, 0], sizes = [64, 64], strides = [1, 1]} : vector<64x128xf32> to vector<64x64xf32>
    %get3A_29 = arith.constant 0 : index
    %get3A_30 = arith.constant 0 : index
    %get3A_31 = arith.constant 0 : index
    %get3A_32 = vector.load %arg6[%get3A_29, %get3A_30, %get3A_31] : memref<1x64x1024xf32, #tpu.memory_space<vmem>>, vector<1x64x1024xf32>
    %get3A_33 = vector.shape_cast %get3A_32 : vector<1x64x1024xf32> to vector<64x1024xf32>
    %dot_general3A = arith.constant dense<0.000000e+00> : vector<64x1024xf32>
    %dot_general3A_34 = tpu.matmul %slice3A_28, %get3A_33, %dot_general3A {dimension_numbers = #tpu.dot_dimension_numbers<[1], [0], [0], [1], [0, 0, 1, 1], [], []>, transpose_lhs_hint = false} : vector<64x64xf32>, vector<64x1024xf32>, vector<64x1024xf32> -> vector<64x1024xf32>
    %slice3A_35 = vector.extract_strided_slice %get3A_27 {offsets = [0, 64], sizes = [64, 64], strides = [1, 1]} : vector<64x128xf32> to vector<64x64xf32>
    %dot_general3A_36 = arith.constant dense<0.000000e+00> : vector<64x1024xf32>
    %dot_general3A_37 = tpu.matmul %slice3A_35, %add3A_24, %dot_general3A_36 {dimension_numbers = #tpu.dot_dimension_numbers<[1], [1], [0], [0], [0, 0, 1, 0], [], []>, transpose_lhs_hint = false} : vector<64x64xf32>, vector<1024x64xf32>, vector<64x1024xf32> -> vector<64x1024xf32>
    %add3A_38 = arith.addf %dot_general3A_34, %dot_general3A_37 : vector<64x1024xf32>
    %get3A_39 = arith.constant 0 : index
    %get3A_40 = arith.constant 0 : index
    %get3A_41 = vector.load %arg8[%get3A_39, %get3A_40] : memref<64x1xf32, #tpu.memory_space<vmem>>, vector<64x1xf32>
    %add3A_42 = vector.broadcast %get3A_41 : vector<64x1xf32> to vector<64x1024xf32>
    %add3A_43 = arith.addf %add3A_38, %add3A_42 : vector<64x1024xf32>
    %swap3A = arith.constant 0 : index
    %swap3A_44 = arith.constant 0 : index
    %swap3A_45 = arith.constant 0 : index
    %swap3A_46 = vector.load %arg9[%swap3A, %swap3A_44, %swap3A_45] : memref<1x64x1024xf32, #tpu.memory_space<vmem>>, vector<1x64x1024xf32>
    %swap3A_47 = vector.shape_cast %swap3A_46 : vector<1x64x1024xf32> to vector<64x1024xf32>
    %swap3A_48 = vector.shape_cast %add3A_43 : vector<64x1024xf32> to vector<1x64x1024xf32>
    tpu.vector_store %arg9[%swap3A, %swap3A_44, %swap3A_45], %swap3A_48 {strides = array<i32>} : memref<1x64x1024xf32, #tpu.memory_space<vmem>>, vector<1x64x1024xf32>,
    %get3A_49 = arith.constant 0 : index
    %get3A_50 = arith.constant 0 : index
    %get3A_51 = vector.load %arg10[%get3A_49, %get3A_50] : memref<64x1xf32, #tpu.memory_space<vmem>>, vector<64x1xf32>
    %reduce_sum3A = arith.constant dense<0.000000e+00> : vector<64xf32>
    %reduce_sum3A_52 = vector.multi_reduction <add>, %add3A_43, %reduce_sum3A [1] : vector<64x1024xf32> to vector<64xf32>
    %broadcast_in_dim3A = vector.shape_cast %reduce_sum3A_52 : vector<64xf32> to vector<64x1xf32>
    %add3A_53 = arith.addf %get3A_51, %broadcast_in_dim3A : vector<64x1xf32>
    %swap3A_54 = arith.constant 0 : index
    %swap3A_55 = arith.constant 0 : index
    %swap3A_56 = vector.load %arg10[%swap3A_54, %swap3A_55] : memref<64x1xf32, #tpu.memory_space<vmem>>, vector<64x1xf32>
    tpu.vector_store %arg10[%swap3A_54, %swap3A_55], %add3A_53 {strides = array<i32>} : memref<64x1xf32, #tpu.memory_space<vmem>>, vector<64x1xf32>,
    %get3A_57 = arith.constant 0 : index
    %get3A_58 = arith.constant 0 : index
    %get3A_59 = vector.load %arg11[%get3A_57, %get3A_58] : memref<64x1xf32, #tpu.memory_space<vmem>>, vector<64x1xf32>
    %mul3A_60 = arith.mulf %add3A_43, %add3A_43 : vector<64x1024xf32>
    %reduce_sum3A_61 = arith.constant dense<0.000000e+00> : vector<64xf32>
    %reduce_sum3A_62 = vector.multi_reduction <add>, %mul3A_60, %reduce_sum3A_61 [1] : vector<64x1024xf32> to vector<64xf32>
    %broadcast_in_dim3A_63 = vector.shape_cast %reduce_sum3A_62 : vector<64xf32> to vector<64x1xf32>
    %add3A_64 = arith.addf %get3A_59, %broadcast_in_dim3A_63 : vector<64x1xf32>
    %swap3A_65 = arith.constant 0 : index
    %swap3A_66 = arith.constant 0 : index
    %swap3A_67 = vector.load %arg11[%swap3A_65, %swap3A_66] : memref<64x1xf32, #tpu.memory_space<vmem>>, vector<64x1xf32>
    tpu.vector_store %arg11[%swap3A_65, %swap3A_66], %add3A_64 {strides = array<i32>} : memref<64x1xf32, #tpu.memory_space<vmem>>, vector<64x1xf32>,
    return
  }
  func.func @transform_0(%arg0: i32, %arg1: i32) -> (i32, i32) {
    %mul3A = arith.constant 8 : i32
    %mul3A_0 = arith.muli %arg0, %mul3A : i32
    %add3A = arith.constant 0 : i32
    %add3A_1 = arith.addi %add3A, %mul3A_0 : i32
    %add3A_2 = arith.addi %add3A_1, %arg1 : i32
    %c0_i32 = arith.constant 0 : i32
    %c0_i32_3 = arith.constant 0 : i32
    return %add3A_2, %c0_i32 : i32, i32
  }
  func.func @transform_1(%arg0: i32, %arg1: i32) -> (i32, i32) {
    %mul3A = arith.constant 8 : i32
    %mul3A_0 = arith.muli %arg0, %mul3A : i32
    %add3A = arith.constant 64 : i32
    %add3A_1 = arith.addi %add3A, %mul3A_0 : i32
    %add3A_2 = arith.addi %add3A_1, %arg1 : i32
    %c0_i32 = arith.constant 0 : i32
    %c0_i32_3 = arith.constant 0 : i32
    return %add3A_2, %c0_i32 : i32, i32
  }
  func.func @transform_2(%arg0: i32, %arg1: i32) -> (i32, i32) {
    %mul3A = arith.constant 8 : i32
    %mul3A_0 = arith.muli %arg0, %mul3A : i32
    %add3A = arith.constant 128 : i32
    %add3A_1 = arith.addi %add3A, %mul3A_0 : i32
    %add3A_2 = arith.addi %add3A_1, %arg1 : i32
    %c0_i32 = arith.constant 0 : i32
    %c0_i32_3 = arith.constant 0 : i32
    return %add3A_2, %c0_i32 : i32, i32
  }
  func.func @transform_3(%arg0: i32, %arg1: i32) -> (i32, i32, i32) {
    %c0_i32 = arith.constant 0 : i32
    %c0_i32_0 = arith.constant 0 : i32
    return %arg0, %c0_i32, %arg1 : i32, i32, i32
  }
  func.func @transform_4(%arg0: i32, %arg1: i32) -> (i32, i32, i32) {
    %c0_i32 = arith.constant 0 : i32
    %c0_i32_0 = arith.constant 0 : i32
    return %arg0, %c0_i32, %arg1 : i32, i32, i32
  }
  func.func @transform_5(%arg0: i32, %arg1: i32) -> (i32, i32) {
    %c0_i32 = arith.constant 0 : i32
    %c0_i32_0 = arith.constant 0 : i32
    %c0_i32_1 = arith.constant 0 : i32
    return %c0_i32, %c0_i32_0 : i32, i32
  }
  func.func @transform_6(%arg0: i32, %arg1: i32) -> (i32, i32) {
    %c0_i32 = arith.constant 0 : i32
    %c0_i32_0 = arith.constant 0 : i32
    %c0_i32_1 = arith.constant 0 : i32
    return %c0_i32, %c0_i32_0 : i32, i32
  }
  func.func @transform_7(%arg0: i32, %arg1: i32) -> (i32, i32, i32) {
    %c0_i32 = arith.constant 0 : i32
    %c0_i32_0 = arith.constant 0 : i32
    return %arg0, %c0_i32, %arg1 : i32, i32, i32
  }
  func.func @transform_8(%arg0: i32, %arg1: i32) -> (i32, i32) {
    %c0_i32 = arith.constant 0 : i32
    %c0_i32_0 = arith.constant 0 : i32
    %c0_i32_1 = arith.constant 0 : i32
    return %c0_i32, %c0_i32_0 : i32, i32
  }
  func.func @transform_9(%arg0: i32, %arg1: i32) -> (i32, i32) {
    %c0_i32 = arith.constant 0 : i32
    %c0_i32_0 = arith.constant 0 : i32
    %c0_i32_1 = arith.constant 0 : i32
    return %c0_i32, %c0_i32_0 : i32, i32
  }
}

module attributes {stable_mosaic.version = 14 : i64} {
  func.func @_p3_body(%arg0: i32, %arg1: i32, %arg2: memref<1x64x1024xf32, #tpu.memory_space<vmem>>, %arg3: memref<64x1xf32, #tpu.memory_space<vmem>>, %arg4: memref<64x1xf32, #tpu.memory_space<vmem>>, %arg5: memref<64x1xf32, #tpu.memory_space<vmem>>, %arg6: memref<64x1xf32, #tpu.memory_space<vmem>>, %arg7: memref<64x64xf32, #tpu.memory_space<vmem>>, %arg8: memref<64x1xf32, #tpu.memory_space<vmem>>, %arg9: memref<1x64x1024xf32, #tpu.memory_space<vmem>>, %arg10: memref<64x1xf32, #tpu.memory_space<vmem>>, %arg11: memref<64x1xf32, #tpu.memory_space<vmem>>) attributes {dimension_semantics = [#tpu.dimension_semantics<arbitrary>, #tpu.dimension_semantics<arbitrary>], iteration_bounds = array<i64: 8, 8>, scalar_prefetch = 0 : i64, scratch_operands = 0 : i64, tpu.core_type = #tpu.core_type<tc>, window_params = [{transform_indices = @transform_0, window_bounds = array<i64: 1, 64, 1024>}, {pipeline_mode = #tpu.pipeline_mode<synchronous>, transform_indices = @transform_1, window_bounds = array<i64: 64, 1>}, {pipeline_mode = #tpu.pipeline_mode<synchronous>, transform_indices = @transform_2, window_bounds = array<i64: 64, 1>}, {pipeline_mode = #tpu.pipeline_mode<synchronous>, transform_indices = @transform_3, window_bounds = array<i64: 64, 1>}, {pipeline_mode = #tpu.pipeline_mode<synchronous>, transform_indices = @transform_4, window_bounds = array<i64: 64, 1>}, {pipeline_mode = #tpu.pipeline_mode<synchronous>, transform_indices = @transform_5, window_bounds = array<i64: 64, 64>}, {pipeline_mode = #tpu.pipeline_mode<synchronous>, transform_indices = @transform_6, window_bounds = array<i64: 64, 1>}, {transform_indices = @transform_7, window_bounds = array<i64: 1, 64, 1024>}, {pipeline_mode = #tpu.pipeline_mode<synchronous>, transform_indices = @transform_8, window_bounds = array<i64: 64, 1>}, {pipeline_mode = #tpu.pipeline_mode<synchronous>, transform_indices = @transform_9, window_bounds = array<i64: 64, 1>}]} {
    %eq3A = arith.constant 0 : i32
    %eq3A_0 = arith.cmpi eq, %arg0, %eq3A : i32
    %eq3A_1 = arith.constant 0 : i32
    %eq3A_2 = arith.cmpi eq, %arg1, %eq3A_1 : i32
    %and3A = arith.andi %eq3A_0, %eq3A_2 : i1
    %convert_element_type3A = arith.extui %and3A : i1 to i32
    %cond3A = arith.constant 0 : i32
    %cond3A_3 = arith.cmpi ne, %convert_element_type3A, %cond3A : i32
    scf.if %cond3A_3 {
      %broadcast_in_dim3A_69 = arith.constant 0.000000e+00 : f32
      %broadcast_in_dim3A_70 = vector.broadcast %broadcast_in_dim3A_69 : f32 to vector<64x1xf32>
      %swap3A_71 = arith.constant 0 : index
      %swap3A_72 = arith.constant 0 : index
      %swap3A_73 = vector.load %arg10[%swap3A_71, %swap3A_72] : memref<64x1xf32, #tpu.memory_space<vmem>>, vector<64x1xf32>
      tpu.vector_store %arg10[%swap3A_71, %swap3A_72], %broadcast_in_dim3A_70 {strides = array<i32>} : memref<64x1xf32, #tpu.memory_space<vmem>>, vector<64x1xf32>,
      %broadcast_in_dim3A_74 = arith.constant 0.000000e+00 : f32
      %broadcast_in_dim3A_75 = vector.broadcast %broadcast_in_dim3A_74 : f32 to vector<64x1xf32>
      %swap3A_76 = arith.constant 0 : index
      %swap3A_77 = arith.constant 0 : index
      %swap3A_78 = vector.load %arg11[%swap3A_76, %swap3A_77] : memref<64x1xf32, #tpu.memory_space<vmem>>, vector<64x1xf32>
      tpu.vector_store %arg11[%swap3A_76, %swap3A_77], %broadcast_in_dim3A_75 {strides = array<i32>} : memref<64x1xf32, #tpu.memory_space<vmem>>, vector<64x1xf32>,
    } else {
    }
    %get3A = arith.constant 0 : index
    %get3A_4 = arith.constant 0 : index
    %get3A_5 = vector.load %arg3[%get3A, %get3A_4] : memref<64x1xf32, #tpu.memory_space<vmem>>, vector<64x1xf32>
    %div3A = arith.constant 6.553600e+04 : f32
    %div3A_6 = vector.broadcast %div3A : f32 to vector<64x1xf32>
    %div3A_7 = arith.divf %get3A_5, %div3A_6 : vector<64x1xf32>
    %get3A_8 = arith.constant 0 : index
    %get3A_9 = arith.constant 0 : index
    %get3A_10 = vector.load %arg4[%get3A_8, %get3A_9] : memref<64x1xf32, #tpu.memory_space<vmem>>, vector<64x1xf32>
    %div3A_11 = arith.constant 6.553600e+04 : f32
    %div3A_12 = vector.broadcast %div3A_11 : f32 to vector<64x1xf32>
    %div3A_13 = arith.divf %get3A_10, %div3A_12 : vector<64x1xf32>
    %mul3A = arith.mulf %div3A_7, %div3A_7 : vector<64x1xf32>
    %sub3A = arith.subf %div3A_13, %mul3A : vector<64x1xf32>
    %get3A_14 = arith.constant 0 : index
    %get3A_15 = arith.constant 0 : index
    %get3A_16 = vector.load %arg5[%get3A_14, %get3A_15] : memref<64x1xf32, #tpu.memory_space<vmem>>, vector<64x1xf32>
    %add3A = arith.constant 9.99999974E-6 : f32
    %add3A_17 = vector.broadcast %add3A : f32 to vector<64x1xf32>
    %add3A_18 = arith.addf %sub3A, %add3A_17 : vector<64x1xf32>
    %rsqrt3A = math.rsqrt %add3A_18 : vector<64x1xf32>
    %mul3A_19 = arith.mulf %get3A_16, %rsqrt3A : vector<64x1xf32>
    %get3A_20 = arith.constant 0 : index
    %get3A_21 = arith.constant 0 : index
    %get3A_22 = vector.load %arg6[%get3A_20, %get3A_21] : memref<64x1xf32, #tpu.memory_space<vmem>>, vector<64x1xf32>
    %mul3A_23 = arith.mulf %div3A_7, %mul3A_19 : vector<64x1xf32>
    %sub3A_24 = arith.subf %get3A_22, %mul3A_23 : vector<64x1xf32>
    %get3A_25 = arith.constant 0 : index
    %get3A_26 = arith.constant 0 : index
    %get3A_27 = arith.constant 0 : index
    %get3A_28 = vector.load %arg2[%get3A_25, %get3A_26, %get3A_27] : memref<1x64x1024xf32, #tpu.memory_space<vmem>>, vector<1x64x1024xf32>
    %get3A_29 = vector.shape_cast %get3A_28 : vector<1x64x1024xf32> to vector<64x1024xf32>
    %mul3A_30 = vector.broadcast %mul3A_19 : vector<64x1xf32> to vector<64x1024xf32>
    %mul3A_31 = arith.mulf %get3A_29, %mul3A_30 : vector<64x1024xf32>
    %add3A_32 = vector.broadcast %sub3A_24 : vector<64x1xf32> to vector<64x1024xf32>
    %add3A_33 = arith.addf %mul3A_31, %add3A_32 : vector<64x1024xf32>
    %max3A = arith.constant 0.000000e+00 : f32
    %max3A_34 = vector.broadcast %max3A : f32 to vector<64x1024xf32>
    %max3A_35 = arith.maximumf %add3A_33, %max3A_34 : vector<64x1024xf32>
    %get3A_36 = arith.constant 0 : index
    %get3A_37 = arith.constant 0 : index
    %get3A_38 = vector.load %arg7[%get3A_36, %get3A_37] : memref<64x64xf32, #tpu.memory_space<vmem>>, vector<64x64xf32>
    %dot_general3A = arith.constant dense<0.000000e+00> : vector<64x1024xf32>
    %dot_general3A_39 = tpu.matmul %get3A_38, %max3A_35, %dot_general3A {dimension_numbers = #tpu.dot_dimension_numbers<[1], [0], [0], [1], [0, 0, 1, 1], [], []>, transpose_lhs_hint = false} : vector<64x64xf32>, vector<64x1024xf32>, vector<64x1024xf32> -> vector<64x1024xf32>
    %get3A_40 = arith.constant 0 : index
    %get3A_41 = arith.constant 0 : index
    %get3A_42 = vector.load %arg8[%get3A_40, %get3A_41] : memref<64x1xf32, #tpu.memory_space<vmem>>, vector<64x1xf32>
    %add3A_43 = vector.broadcast %get3A_42 : vector<64x1xf32> to vector<64x1024xf32>
    %add3A_44 = arith.addf %dot_general3A_39, %add3A_43 : vector<64x1024xf32>
    %swap3A = arith.constant 0 : index
    %swap3A_45 = arith.constant 0 : index
    %swap3A_46 = arith.constant 0 : index
    %swap3A_47 = vector.load %arg9[%swap3A, %swap3A_45, %swap3A_46] : memref<1x64x1024xf32, #tpu.memory_space<vmem>>, vector<1x64x1024xf32>
    %swap3A_48 = vector.shape_cast %swap3A_47 : vector<1x64x1024xf32> to vector<64x1024xf32>
    %swap3A_49 = vector.shape_cast %add3A_44 : vector<64x1024xf32> to vector<1x64x1024xf32>
    tpu.vector_store %arg9[%swap3A, %swap3A_45, %swap3A_46], %swap3A_49 {strides = array<i32>} : memref<1x64x1024xf32, #tpu.memory_space<vmem>>, vector<1x64x1024xf32>,
    %get3A_50 = arith.constant 0 : index
    %get3A_51 = arith.constant 0 : index
    %get3A_52 = vector.load %arg10[%get3A_50, %get3A_51] : memref<64x1xf32, #tpu.memory_space<vmem>>, vector<64x1xf32>
    %reduce_sum3A = arith.constant dense<0.000000e+00> : vector<64xf32>
    %reduce_sum3A_53 = vector.multi_reduction <add>, %add3A_44, %reduce_sum3A [1] : vector<64x1024xf32> to vector<64xf32>
    %broadcast_in_dim3A = vector.shape_cast %reduce_sum3A_53 : vector<64xf32> to vector<64x1xf32>
    %add3A_54 = arith.addf %get3A_52, %broadcast_in_dim3A : vector<64x1xf32>
    %swap3A_55 = arith.constant 0 : index
    %swap3A_56 = arith.constant 0 : index
    %swap3A_57 = vector.load %arg10[%swap3A_55, %swap3A_56] : memref<64x1xf32, #tpu.memory_space<vmem>>, vector<64x1xf32>
    tpu.vector_store %arg10[%swap3A_55, %swap3A_56], %add3A_54 {strides = array<i32>} : memref<64x1xf32, #tpu.memory_space<vmem>>, vector<64x1xf32>,
    %get3A_58 = arith.constant 0 : index
    %get3A_59 = arith.constant 0 : index
    %get3A_60 = vector.load %arg11[%get3A_58, %get3A_59] : memref<64x1xf32, #tpu.memory_space<vmem>>, vector<64x1xf32>
    %mul3A_61 = arith.mulf %add3A_44, %add3A_44 : vector<64x1024xf32>
    %reduce_sum3A_62 = arith.constant dense<0.000000e+00> : vector<64xf32>
    %reduce_sum3A_63 = vector.multi_reduction <add>, %mul3A_61, %reduce_sum3A_62 [1] : vector<64x1024xf32> to vector<64xf32>
    %broadcast_in_dim3A_64 = vector.shape_cast %reduce_sum3A_63 : vector<64xf32> to vector<64x1xf32>
    %add3A_65 = arith.addf %get3A_60, %broadcast_in_dim3A_64 : vector<64x1xf32>
    %swap3A_66 = arith.constant 0 : index
    %swap3A_67 = arith.constant 0 : index
    %swap3A_68 = vector.load %arg11[%swap3A_66, %swap3A_67] : memref<64x1xf32, #tpu.memory_space<vmem>>, vector<64x1xf32>
    tpu.vector_store %arg11[%swap3A_66, %swap3A_67], %add3A_65 {strides = array<i32>} : memref<64x1xf32, #tpu.memory_space<vmem>>, vector<64x1xf32>,
    return
  }
  func.func @transform_0(%arg0: i32, %arg1: i32) -> (i32, i32, i32) {
    %c0_i32 = arith.constant 0 : i32
    %c0_i32_0 = arith.constant 0 : i32
    return %arg0, %c0_i32, %arg1 : i32, i32, i32
  }
  func.func @transform_1(%arg0: i32, %arg1: i32) -> (i32, i32) {
    %c0_i32 = arith.constant 0 : i32
    %c0_i32_0 = arith.constant 0 : i32
    %c0_i32_1 = arith.constant 0 : i32
    return %c0_i32, %c0_i32_0 : i32, i32
  }
  func.func @transform_2(%arg0: i32, %arg1: i32) -> (i32, i32) {
    %c0_i32 = arith.constant 0 : i32
    %c0_i32_0 = arith.constant 0 : i32
    %c0_i32_1 = arith.constant 0 : i32
    return %c0_i32, %c0_i32_0 : i32, i32
  }
  func.func @transform_3(%arg0: i32, %arg1: i32) -> (i32, i32) {
    %c0_i32 = arith.constant 0 : i32
    %c0_i32_0 = arith.constant 0 : i32
    %c0_i32_1 = arith.constant 0 : i32
    return %c0_i32, %c0_i32_0 : i32, i32
  }
  func.func @transform_4(%arg0: i32, %arg1: i32) -> (i32, i32) {
    %c0_i32 = arith.constant 0 : i32
    %c0_i32_0 = arith.constant 0 : i32
    %c0_i32_1 = arith.constant 0 : i32
    return %c0_i32, %c0_i32_0 : i32, i32
  }
  func.func @transform_5(%arg0: i32, %arg1: i32) -> (i32, i32) {
    %c0_i32 = arith.constant 0 : i32
    %c0_i32_0 = arith.constant 0 : i32
    %c0_i32_1 = arith.constant 0 : i32
    return %c0_i32, %c0_i32_0 : i32, i32
  }
  func.func @transform_6(%arg0: i32, %arg1: i32) -> (i32, i32) {
    %c0_i32 = arith.constant 0 : i32
    %c0_i32_0 = arith.constant 0 : i32
    %c0_i32_1 = arith.constant 0 : i32
    return %c0_i32, %c0_i32_0 : i32, i32
  }
  func.func @transform_7(%arg0: i32, %arg1: i32) -> (i32, i32, i32) {
    %c0_i32 = arith.constant 0 : i32
    %c0_i32_0 = arith.constant 0 : i32
    return %arg0, %c0_i32, %arg1 : i32, i32, i32
  }
  func.func @transform_8(%arg0: i32, %arg1: i32) -> (i32, i32) {
    %c0_i32 = arith.constant 0 : i32
    %c0_i32_0 = arith.constant 0 : i32
    %c0_i32_1 = arith.constant 0 : i32
    return %c0_i32, %c0_i32_0 : i32, i32
  }
  func.func @transform_9(%arg0: i32, %arg1: i32) -> (i32, i32) {
    %c0_i32 = arith.constant 0 : i32
    %c0_i32_0 = arith.constant 0 : i32
    %c0_i32_1 = arith.constant 0 : i32
    return %c0_i32, %c0_i32_0 : i32, i32
  }
}

module attributes {stable_mosaic.version = 14 : i64} {
  func.func @_p4_body(%arg0: i32, %arg1: i32, %arg2: memref<1x64x1024xf32, #tpu.memory_space<vmem>>, %arg3: memref<64x1xf32, #tpu.memory_space<vmem>>, %arg4: memref<64x1xf32, #tpu.memory_space<vmem>>, %arg5: memref<64x1xf32, #tpu.memory_space<vmem>>, %arg6: memref<64x1xf32, #tpu.memory_space<vmem>>, %arg7: memref<1x64x1024xf32, #tpu.memory_space<vmem>>) attributes {dimension_semantics = [#tpu.dimension_semantics<arbitrary>, #tpu.dimension_semantics<arbitrary>], iteration_bounds = array<i64: 8, 8>, scalar_prefetch = 0 : i64, scratch_operands = 0 : i64, tpu.core_type = #tpu.core_type<tc>, window_params = [{transform_indices = @transform_0, window_bounds = array<i64: 1, 64, 1024>}, {pipeline_mode = #tpu.pipeline_mode<synchronous>, transform_indices = @transform_1, window_bounds = array<i64: 64, 1>}, {pipeline_mode = #tpu.pipeline_mode<synchronous>, transform_indices = @transform_2, window_bounds = array<i64: 64, 1>}, {pipeline_mode = #tpu.pipeline_mode<synchronous>, transform_indices = @transform_3, window_bounds = array<i64: 64, 1>}, {pipeline_mode = #tpu.pipeline_mode<synchronous>, transform_indices = @transform_4, window_bounds = array<i64: 64, 1>}, {transform_indices = @transform_5, window_bounds = array<i64: 1, 64, 1024>}]} {
    %get3A = arith.constant 0 : index
    %get3A_0 = arith.constant 0 : index
    %get3A_1 = vector.load %arg3[%get3A, %get3A_0] : memref<64x1xf32, #tpu.memory_space<vmem>>, vector<64x1xf32>
    %div3A = arith.constant 6.553600e+04 : f32
    %div3A_2 = vector.broadcast %div3A : f32 to vector<64x1xf32>
    %div3A_3 = arith.divf %get3A_1, %div3A_2 : vector<64x1xf32>
    %get3A_4 = arith.constant 0 : index
    %get3A_5 = arith.constant 0 : index
    %get3A_6 = vector.load %arg4[%get3A_4, %get3A_5] : memref<64x1xf32, #tpu.memory_space<vmem>>, vector<64x1xf32>
    %div3A_7 = arith.constant 6.553600e+04 : f32
    %div3A_8 = vector.broadcast %div3A_7 : f32 to vector<64x1xf32>
    %div3A_9 = arith.divf %get3A_6, %div3A_8 : vector<64x1xf32>
    %mul3A = arith.mulf %div3A_3, %div3A_3 : vector<64x1xf32>
    %sub3A = arith.subf %div3A_9, %mul3A : vector<64x1xf32>
    %get3A_10 = arith.constant 0 : index
    %get3A_11 = arith.constant 0 : index
    %get3A_12 = vector.load %arg5[%get3A_10, %get3A_11] : memref<64x1xf32, #tpu.memory_space<vmem>>, vector<64x1xf32>
    %add3A = arith.constant 9.99999974E-6 : f32
    %add3A_13 = vector.broadcast %add3A : f32 to vector<64x1xf32>
    %add3A_14 = arith.addf %sub3A, %add3A_13 : vector<64x1xf32>
    %rsqrt3A = math.rsqrt %add3A_14 : vector<64x1xf32>
    %mul3A_15 = arith.mulf %get3A_12, %rsqrt3A : vector<64x1xf32>
    %get3A_16 = arith.constant 0 : index
    %get3A_17 = arith.constant 0 : index
    %get3A_18 = vector.load %arg6[%get3A_16, %get3A_17] : memref<64x1xf32, #tpu.memory_space<vmem>>, vector<64x1xf32>
    %mul3A_19 = arith.mulf %div3A_3, %mul3A_15 : vector<64x1xf32>
    %sub3A_20 = arith.subf %get3A_18, %mul3A_19 : vector<64x1xf32>
    %get3A_21 = arith.constant 0 : index
    %get3A_22 = arith.constant 0 : index
    %get3A_23 = arith.constant 0 : index
    %get3A_24 = vector.load %arg2[%get3A_21, %get3A_22, %get3A_23] : memref<1x64x1024xf32, #tpu.memory_space<vmem>>, vector<1x64x1024xf32>
    %get3A_25 = vector.shape_cast %get3A_24 : vector<1x64x1024xf32> to vector<64x1024xf32>
    %mul3A_26 = vector.broadcast %mul3A_15 : vector<64x1xf32> to vector<64x1024xf32>
    %mul3A_27 = arith.mulf %get3A_25, %mul3A_26 : vector<64x1024xf32>
    %add3A_28 = vector.broadcast %sub3A_20 : vector<64x1xf32> to vector<64x1024xf32>
    %add3A_29 = arith.addf %mul3A_27, %add3A_28 : vector<64x1024xf32>
    %max3A = arith.constant 0.000000e+00 : f32
    %max3A_30 = vector.broadcast %max3A : f32 to vector<64x1024xf32>
    %max3A_31 = arith.maximumf %add3A_29, %max3A_30 : vector<64x1024xf32>
    %swap3A = arith.constant 0 : index
    %swap3A_32 = arith.constant 0 : index
    %swap3A_33 = arith.constant 0 : index
    %swap3A_34 = vector.load %arg7[%swap3A, %swap3A_32, %swap3A_33] : memref<1x64x1024xf32, #tpu.memory_space<vmem>>, vector<1x64x1024xf32>
    %swap3A_35 = vector.shape_cast %swap3A_34 : vector<1x64x1024xf32> to vector<64x1024xf32>
    %swap3A_36 = vector.shape_cast %max3A_31 : vector<64x1024xf32> to vector<1x64x1024xf32>
    tpu.vector_store %arg7[%swap3A, %swap3A_32, %swap3A_33], %swap3A_36 {strides = array<i32>} : memref<1x64x1024xf32, #tpu.memory_space<vmem>>, vector<1x64x1024xf32>,
    return
  }
  func.func @transform_0(%arg0: i32, %arg1: i32) -> (i32, i32, i32) {
    %c0_i32 = arith.constant 0 : i32
    %c0_i32_0 = arith.constant 0 : i32
    return %arg0, %c0_i32, %arg1 : i32, i32, i32
  }
  func.func @transform_1(%arg0: i32, %arg1: i32) -> (i32, i32) {
    %c0_i32 = arith.constant 0 : i32
    %c0_i32_0 = arith.constant 0 : i32
    %c0_i32_1 = arith.constant 0 : i32
    return %c0_i32, %c0_i32_0 : i32, i32
  }
  func.func @transform_2(%arg0: i32, %arg1: i32) -> (i32, i32) {
    %c0_i32 = arith.constant 0 : i32
    %c0_i32_0 = arith.constant 0 : i32
    %c0_i32_1 = arith.constant 0 : i32
    return %c0_i32, %c0_i32_0 : i32, i32
  }
  func.func @transform_3(%arg0: i32, %arg1: i32) -> (i32, i32) {
    %c0_i32 = arith.constant 0 : i32
    %c0_i32_0 = arith.constant 0 : i32
    %c0_i32_1 = arith.constant 0 : i32
    return %c0_i32, %c0_i32_0 : i32, i32
  }
  func.func @transform_4(%arg0: i32, %arg1: i32) -> (i32, i32) {
    %c0_i32 = arith.constant 0 : i32
    %c0_i32_0 = arith.constant 0 : i32
    %c0_i32_1 = arith.constant 0 : i32
    return %c0_i32, %c0_i32_0 : i32, i32
  }
  func.func @transform_5(%arg0: i32, %arg1: i32) -> (i32, i32, i32) {
    %c0_i32 = arith.constant 0 : i32
    %c0_i32_0 = arith.constant 0 : i32
    return %arg0, %c0_i32, %arg1 : i32, i32, i32
  }
}

</mosaic_0001>

<sc_bundles>
// kernel: kernel.7.cloned.1.call-start
scs
__scs_entry_jumppad:
0x0: {  	(pc) =	sbr.rel $0x88, $3  }
0x1: {  	(tag) =	ssettag $0x0;
	lr =	simm.s32 $0x1  }
0x2: {  	[smem:$0x3F95] =	sst lr;
	_ =	strace $0xD0000000  }
0x3: {  	_ = 	snop  }
0x4: {  	_ = 	snop  }
0x5: {  	_ = 	snop  }
0x6: {  	_ = 	snop  }
0x7: {  	_ = 	snop  }
__scs_overlays_trampoline_lowered:
0x8: {  	[smem:$0x3FA4] =	sst s0  }
0x9: {  	[smem:$0x3FA5] =	sst s1  }
0xa: {  	[smem:$0x3FA6] =	sst s2  }
0xb: {  	[smem:$0x3FA7] =	sst s3  }
0xc: {  	[smem:$0x3FA8] =	sst s4  }
0xd: {  	[smem:$0x3FA9] =	sst s5  }
0xe: {  	[smem:$0x3FAA] =	sst s6  }
0xf: {  	[smem:$0x3FAB] =	sst s7  }
0x10: {  	[smem:$0x3FAC] =	sst s8  }
0x11: {  	[smem:$0x3FAD] =	sst s9;
	s0 =	simm.s32 @!p0 $0x0  }
0x12: {  	s1 =	sld [smem:$0x3F93];
	s0 =	simm.s32 @p0 $0x1  }
0x13: {  	[smem:$0x3FAE] =	sst s0;
	s0 =	simm.s32 @!p1 $0x0  }
0x14: {  	s2 =	sld [smem:$0x3F92];
	s0 =	simm.s32 @p1 $0x1  }
0x15: {  	[smem:$0x3FAF] =	sst s0;
	s0 =	simm.s32 @!p2 $0x0  }
0x16: {  	s3 =	sld [smem:$0x3FDB];
	s0 =	simm.s32 @p2 $0x1  }
0x17: {  	s4 =	simm.s32 $0x1BF5;
	[smem:$0x3FB1] =	sst s0  }
0x18: {  	s0 =	sld [smem:$0x3F94];
	_ =	swait.ge [sflag:s4], $0x0  }
0x19: {  	s7 =	sld [smem:$0x3F95]  }
0x1a: {  	s8 =	sadd.s32 $0xFFFFE003, lr  }
0x1b: {  	s9 =	sadd.s32 $0xFFFFFEF7, lr;
	s5 =	simm.s32 $0xFFFFFFFF;
	p2 =	slt.u32 s8, $0xFFFFF086  }
0x1c: {  	p1 =	slt.u32 s9, $0xF7A;
	s5 =	simm.s32 @!p2 $0x0  }
0x1d: {  	s5 =	simm.s32 @p1 $0x1;
	p0 =	seq.s32 s7, s2  }
0x1e: {  	s7 =	smul.u32 @!p0 $0xF7A, s2;
	p2 =	seq.s32 @!p0 s5, $0x0  }
0x1f: {  	s9 =	smul.u32 $0xF7A, s1;
	s8 =	simm.s32 @!p0 $0x1BF5;
	p2 =	por !p2, p0  }
0x20: {  	[sflag:s8] =	ssyncset.s32 @!p0 $0xFFFFF086;
	s6 =	sadd.s32 @!p0 s3, s7;
	s7 =	simm.s32 @!p0 $0x108  }
0x21: {  	s3 =	sadd.s32 s3, s9;
	s6 =	sadd.s32 @!p0 $0x88, s6;
	s7 =	simm.s32 @p2 $0x1082  }
0x22: {  	[simem:s7], [sflag:s8] =	dma.local @!p0 [hbm:s6], $0xF7A  }
0x23: {  	s9 =	sor.u32 $0xD0000000, s2;
	s6 =	simm.s32 $0x108;
	_ =	swait.ge @!p0 [sflag:s8], $0x0  }
0x24: {  	s3 =	sadd.s32 $0x88, s3;
	s6 =	simm.s32 @!p1 $0x1082;
	[sflag:s4] =	ssyncset.s32 $0xFFFFF086  }
0x25: {  	[simem:s6], [sflag:s4] =	dma.local [hbm:s3], $0xF7A  }
0x26: {  	[smem:$0x3F95] =	sst s1;
	(tag) =	ssettag s2;
	_ =	strace s9  }
0x27: {  	s1 =	sld [smem:$0x3FA5]  }
0x28: {  	s2 =	sld [smem:$0x3FA6]  }
0x29: {  	s4 =	sld [smem:$0x3FA8]  }
0x2a: {  	p0 =	seq.s32 s5, $0x0;
	s5 =	sld [smem:$0x3FA9]  }
0x2b: {  	s6 =	sld [smem:$0x3FAA]  }
0x2c: {  	s7 =	sld [smem:$0x3FAB]  }
0x2d: {  	s3 =	simm.s32 $0x108;
	s8 =	sld [smem:$0x3FAC]  }
0x2e: {  	s3 =	simm.s32 @!p0 $0x1082;
	s9 =	sld [smem:$0x3FAD]  }
0x2f: {  	lr =	sadd.s32 s0, s3;
	s0 =	sld [smem:$0x3FA4]  }
0x30: {  	s3 =	sld [smem:$0x3FA7]  }
0x31: {  	[smem:$0x3FB0] =	sst s10  }
0x32: {  	s10 =	sld [smem:$0x3FAE];
	_ =	sdelay $0x3  }
0x33: {  	p0 =	seq.s32 s10, $0x1;
	s10 =	sld [smem:$0x3FB0];
	_ =	sdelay $0x3  }
0x34: {  	[smem:$0x3FB0] =	sst s10  }
0x35: {  	s10 =	sld [smem:$0x3FAF];
	_ =	sdelay $0x3  }
0x36: {  	p1 =	seq.s32 s10, $0x1;
	s10 =	sld [smem:$0x3FB0];
	_ =	sdelay $0x3  }
0x37: {  	[smem:$0x3FB0] =	sst s10  }
0x38: {  	s10 =	sld [smem:$0x3FB1]  }
0x39: {  	_ = 	snop;
	(pc) =	sbr.ind lr, $3  }
0x3a: {  	_ = 	snop  }
0x3b: {  	_ = 	snop  }
0x3c: {  	p2 =	seq.s32 s10, $0x1;
	s10 =	sld [smem:$0x3FB0]  }
0x3d: {  	_ =	shalt  }
0x3e: {  	_ =	shalt  }
0x3f: {  	_ =	shalt  }
0x40: {  	_ =	shalt  }
0x41: {  	_ =	shalt  }
0x42: {  	_ =	shalt  }
0x43: {  	_ =	shalt  }
0x44: {  	_ =	shalt  }
0x45: {  	_ =	shalt  }
0x46: {  	_ =	shalt  }
0x47: {  	_ =	shalt  }
0x48: {  	_ =	shalt  }
0x49: {  	_ =	shalt  }
0x4a: {  	_ =	shalt  }
0x4b: {  	_ =	shalt  }
0x4c: {  	_ =	shalt  }
0x4d: {  	_ =	shalt  }
0x4e: {  	_ =	shalt  }
0x4f: {  	_ =	shalt  }
0x50: {  	_ =	shalt  }
0x51: {  	_ =	shalt  }
0x52: {  	_ =	shalt  }
0x53: {  	_ =	shalt  }
0x54: {  	_ =	shalt  }
0x55: {  	_ =	shalt  }
0x56: {  	_ =	shalt  }
0x57: {  	_ =	shalt  }
0x58: {  	_ =	shalt  }
0x59: {  	_ =	shalt  }
0x5a: {  	_ =	shalt  }
0x5b: {  	_ =	shalt  }
0x5c: {  	_ =	shalt  }
0x5d: {  	_ =	shalt  }
0x5e: {  	_ =	shalt  }
0x5f: {  	_ =	shalt  }
0x60: {  	_ =	shalt  }
0x61: {  	_ =	shalt  }
0x62: {  	_ =	shalt  }
0x63: {  	_ =	shalt  }
0x64: {  	_ =	shalt  }
0x65: {  	_ =	shalt  }
0x66: {  	_ =	shalt  }
0x67: {  	_ =	shalt  }
0x68: {  	_ =	shalt  }
0x69: {  	_ =	shalt  }
0x6a: {  	_ =	shalt  }
0x6b: {  	_ =	shalt  }
0x6c: {  	_ =	shalt  }
0x6d: {  	_ =	shalt  }
0x6e: {  	_ =	shalt  }
0x6f: {  	_ =	shalt  }
0x70: {  	_ =	shalt  }
0x71: {  	_ =	shalt  }
0x72: {  	_ =	shalt  }
0x73: {  	_ =	shalt  }
0x74: {  	_ =	shalt  }
0x75: {  	_ =	shalt  }
0x76: {  	_ =	shalt  }
0x77: {  	_ =	shalt  }
0x78: {  	_ =	shalt  }
0x79: {  	_ =	shalt  }
0x7a: {  	_ =	shalt  }
0x7b: {  	_ =	shalt  }
0x7c: {  	_ =	shalt  }
0x7d: {  	_ =	shalt  }
0x7e: {  	_ =	shalt  }
0x7f: {  	_ =	shalt  }
0x80: {  	_ =	shalt  }
0x81: {  	_ =	shalt  }
0x82: {  	_ =	shalt  }
0x83: {  	_ =	shalt  }
0x84: {  	_ =	shalt  }
0x85: {  	_ =	shalt  }
0x86: {  	_ =	shalt  }
0x87: {  	_ =	shalt  }
.Lfunc_end0:
.L_simem_size_0:
called_computation_lowered:
.L_overlay_start_0:
0x88: {  	s2 =	sld [smem:$0x3FD9]  }
0x89: {  	s3 =	sld [smem:$0x3FFE];
	_ =	sdelay $0x1  }
0x8a: {  	s1 =	srdreg.scid  }
0x8b: {  	s0 =	sand.u32 $0x1, s1  }
0x8c: {  	s17 =	sshll.u32 s0, $0xA;
	s2 =	sadd.s32 s3, s2  }
0x8d: {  	s2 =	sadd.s32 s2, s17  }
0x8e: {  	[smem:$0x3FBC] =	sst s2  }
0x8f: {  	_ = 	snop  }
0x90: {  	s2 =	sld [smem:$0x3FD0];
	(tm) =	ssettm $0x1  }
0x91: {  	s18 =	sld [smem:$0x3FFB];
	_ =	sdelay $0x3  }
0x92: {  	_ =	strace s18  }
0x93: {  	s3 =	sld [smem:$0x3FFC];
	_ =	sdelay $0x3  }
0x94: {  	_ =	strace s3  }
0x95: {  	s3 =	sld [smem:$0x3FFD];
	_ =	sdelay $0x3  }
0x96: {  	_ =	strace s3  }
0x97: {  	_ =	strace $0x8FFFFFFF  }
0x98: {  	s19 =	sld [smem:$0x3FDB];
	_ =	sdelay $0x1  }
0x99: {  	s4 =	simm.s32 $_scs_section_size  }
0x9a: {  	s5 =	simm.s32 $_size__tile_overlayer_lowered;
	s6 =	simm.s32 $_tile_overlayer_lowered  }
0x9b: {  	s22 =	simm.s32 $0x1BFF;
	s21 =	sshll.u32 s6, $0x1;
	s3 =	sadd.s32 s4, s19  }
0x9c: {  	s7 =	simm.s32 $0x0;
	s20 =	sshll.u32 s5, $0x1;
	s5 =	sadd.s32 s21, s3  }
0x9d: {  	[timem:s7], [sflag:s22] =	dma.local [hbm:s5], s20  }
0x9e: {  	_ =	swait.ge [sflag:s22], s20  }
0x9f: {  	s4 =	ssub.s32 $0x0, s20;
	[sflag:s22] =	ssyncset.done $0x0  }
0xa0: {  	[sflag:s22] =	ssyncadd.s32 s4;
	_ =	sdelay $0x1  }
0xa1: {  	s23 =	simm.s32 $0x1B8B  }
0xa2: {  	_ =	swait.ge [sflag:s23], $0x1  }
0xa3: {  	[sflag:s23] =	ssyncset.done $0x0  }
0xa4: {  	s25 =	simm.s32 $0x1B8E;
	s24 =	sld [smem:$0x3FFE];
	[sflag:s23] =	ssyncadd.s32 $0xFFFFFFFF  }
0xa5: {  	s26 =	simm.s32 $execute0_lowered;
	[smem:$0x3FD2] =	sst s25  }
0xa6: {  	s5 =	sshll.u32 s26, $0x1;
	_ =	strace $0x80000046;
	[dreg:$0x1] =	wrdreg $0xFFFFFFFF  }
0xa7: {  	s28 =	simm.s32 $_size_execute0_lowered;
	s3 =	sadd.s32 s3, s5;
	[dreg:$0x0] =	wrdreg $0x0  }
0xa8: {  	s5 =	sshll.u32 s28, $0x1;
	[dreg:$0x2] =	wrdreg s3  }
0xa9: {  	[dreg:$0x3] =	wrdreg s5  }
0xaa: {  	[dreg:$0x4] =	wrdreg $0xC0  }
0xab: {  	_ =	task [dreg:s7], $0x5FFFF  }
0xac: {  	[dreg:$0x1] =	wrdreg $0xFFFFFFFF  }
0xad: {  	[dreg:$0x0] =	wrdreg $0x60  }
0xae: {  	[dreg:$0x2] =	wrdreg s24  }
0xaf: {  	[dreg:$0x3] =	wrdreg s2  }
0xb0: {  	[dreg:$0x4] =	wrdreg $0x9  }
0xb1: {  	_ =	task.clear_ibuf [dreg:s7], $0x5FFFF;
	_ =	strace $0x90000046  }
0xb2: {  	s29 =	simm.s32 $0x9;
	_ =	strace $0x80000048  }
0xb3: {  	_ =	swait.ge [sflag:s29], $0x1  }
0xb4: {  	[sflag:s29] =	ssyncadd.s32 $0xFFFFFFFF  }
0xb5: {  	_ =	strace $0x90000048  }
0xb6: {  	_ =	sfence  }
0xb7: {  	s30 =	sld [smem:$0x0];
	_ =	sdelay $0x2  }
0xb8: {  	s31 =	sshll.u32 s1, $0xD;
	s1 =	sshrl.u32 s1, $0x2  }
0xb9: {  	s3 =	sand.u32 $0x4000, s31;
	s1 =	sadd.s32 s1, s30  }
0xba: {  	s0 =	sor.u32 s3, s0;
	s1 =	sshll.u32 s1, $0x11  }
0xbb: {  	s0 =	sor.u32 s1, s0  }
0xbc: {  	s0 =	sadd.s32 $0x8F2B, s0  }
0xbd: {  	[sflag:s0] =	ssyncadd.remote.s32 $0x1  }
0xbe: {  	_ =	sfence.sel $0xFFFF  }
0xbf: {  	[dreg:$0x0] =	wrdreg $0xFFFFFFFF;
	(pc) =	sbr.abs _section_cstart, $3  }
0xc0: {  	[dreg:$0x1] =	wrdreg $0xFFFFFFFF  }
0xc1: {  	_ =	task.clear_ibuf [dreg:s7], $0x2FFFF;
	_ =	strace $0x9FFFFFFF  }
0xc2: {  	(tm) =	ssettm $0x7FFFFFFF  }
0xc3: {  	_ =	shalt  }
tec
execute0_lowered:
.L_overlay_start_1:
0x0: {  	(tag) =	ssettag $0x1  }
0x1: {  	s1 =	srdreg.scid;
	s4 =	rddreg [dreg:$0x0]  }
0x2: {  	s0 =	stileid.u32;
	s2 =	rddreg [dreg:$0x1]  }
0x3: {  	s3 =	simm.s32 $0x0;
	s13 =	simm.s32 $0x800;
	s14 =	simm.s32 $0x1000  }
0x4: {  	s15 =	simm.s32 $0x1800;
	s16 =	simm.s32 $0x1;
	s17 =	simm.s32 $0x80  }
0x5: {  	s18 =	simm.s32 $0x3800;
	s19 =	simm.s32 $0x40;
	s20 =	simm.s32 $0x2  }
0x6: {  	s21 =	simm.s32 $0x0;
	s7 =	sand.u32 $0x1, s1;
	s1 =	rddreg [dreg:$0x2]  }
0x7: {  	s5 =	sshll.u32 s0, $0xC;
	[smem:$0x7FF] =	sst s3;
	s10 =	sadd.s32 $0x8C00, s4  }
0x8: {  	s30 =	sshll.u32 s0, $0x10;
	s6 =	sshll.u32 s7, $0xB;
	s28 =	ssub.s32 $0x2, s7  }
0x9: {  	_ =	strace $0x80000047;
	s8 =	sor.u32 s6, s5;
	s29 =	sshrl.u32 s28, $0x1  }
0xa: {  	s12 =	sshll.u32 s7, $0xF;
	s5 =	sshrl.u32 s8, $0x3;
	s11 =	ssub.s32 s28, s29  }
0xb: {  	s8 =	sshll.u32 s8, $0x4;
	s9 =	sadd.s32 s5, s4;
	s7 =	smax.u32 s11, $0x1  }
0xc: {  	s31 =	sadd.s32 s8, s10;
	s4 =	sadd.s32 $0x2C00, s9;
	s5 =	sadd.s32 $0x4C00, s9  }
0xd: {  	s6 =	sadd.s32 $0x6C00, s9;
	s9 =	sadd.s32 s30, s10;
	s8 =	sadd.s32 $0x100800, s31  }
0xe: {  	s10 =	sadd.s32 $0x200000, s31;
	s11 =	sadd.s32 $0x100000, s31;
	s9 =	sadd.s32 s12, s9  }
0xf: {  	s12 =	simm.s32 $0x3;
	[dreg:$0x3] =	wrdreg s9;
	s9 =	sadd.s32 $0x200800, s31  }
.LBB2_1:
0x10: {  	[tilespmem:s3], [sflag:$0x3] =	stream.linear.gather [hbm4b:s4+s3], $0x800, $0x38;
	[tilespmem:$0x5800] =	vst v63  }
0x11: {  	_ =	swait.ge [sflag:s12], $0x800  }
0x12: {  	[sflag:s12] =	ssyncset.done $0x0  }
0x13: {  	[sflag:s12] =	ssyncadd.s32 $0xFFFFF800  }
0x14: {  	[tilespmem:s13], [sflag:$0x3] =	stream.linear.gather [hbm4b:s5+s3], $0x800, $0x38;
	[tilespmem:$0x5800] =	vst v63  }
0x15: {  	_ =	swait.ge [sflag:s12], $0x800  }
0x16: {  	[sflag:s12] =	ssyncset.done $0x0  }
0x17: {  	[sflag:s12] =	ssyncadd.s32 $0xFFFFF800  }
0x18: {  	[tilespmem:s14], [sflag:$0x3] =	stream.linear.gather [hbm4b:s6+s3], $0x800, $0x38;
	[tilespmem:$0x5800] =	vst v63  }
0x19: {  	_ =	swait.ge [sflag:s12], $0x800  }
0x1a: {  	[sflag:s12] =	ssyncset.done $0x0  }
0x1b: {  	[sflag:s12] =	ssyncadd.s32 $0xFFFFF800  }
0x1c: {  	[tilespmem:s15], [sflag:$0x1] =	stream.indirect.gather [hbm4b:s2+s17], $0x40, s3, s17, $0xb8;
	[tilespmem:$0x5800] =	vst v63  }
0x1d: {  	_ =	swait.ge [sflag:s16], $0x2000  }
0x1e: {  	[sflag:s16] =	ssyncset.done $0x0  }
0x1f: {  	s23 =	simm.s32 $0x800;
	s22 =	rddreg [dreg:$0x3];
	[sflag:s16] =	ssyncadd.s32 $0xFFFFE000  }
0x20: {  	[tilespmem:s18], [sflag:$0x2] =	stream.indirect.gather [hbm4b:s2+s17], $0x40, s23, s17, $0xb8;
	[tilespmem:$0x5800] =	vst v63  }
0x21: {  	s22 =	sadd.s32 $0x0, s22  }
0x22: {  	[hbm4b:s22+s19] =	stream.strided.scatter [tilespmem:s15], [sflag:$0x3], $0x2000, s17, s19, $0x38;
	[tilespmem:$0x5800] =	vst v63  }
0x23: {  	_ =	swait.ge [sflag:s12], $0x2000  }
0x24: {  	[sflag:s12] =	ssyncset.done $0x0  }
0x25: {  	[sflag:s12] =	ssyncadd.s32 $0xFFFFE000  }
0x26: {  	_ =	swait.ge [sflag:s20], $0x2000  }
0x27: {  	[sflag:s20] =	ssyncset.done $0x0  }
0x28: {  	s24 =	simm.s32 $0x1000;
	[sflag:s20] =	ssyncadd.s32 $0xFFFFE000  }
0x29: {  	[tilespmem:s15], [sflag:$0x1] =	stream.indirect.gather [hbm4b:s2+s17], $0x40, s24, s17, $0xb8;
	[tilespmem:$0x5800] =	vst v63  }
0x2a: {  	s25 =	sadd.s32 $0x0, s11  }
0x2b: {  	[hbm4b:s25+s19] =	stream.strided.scatter [tilespmem:s18], [sflag:$0x3], $0x2000, s17, s19, $0x38;
	[tilespmem:$0x5800] =	vst v63  }
0x2c: {  	_ =	swait.ge [sflag:s12], $0x2000  }
0x2d: {  	[sflag:s12] =	ssyncset.done $0x0  }
0x2e: {  	[sflag:s12] =	ssyncadd.s32 $0xFFFFE000  }
0x2f: {  	_ =	swait.ge [sflag:s16], $0x2000  }
0x30: {  	[sflag:s16] =	ssyncset.done $0x0  }
0x31: {  	[sflag:s16] =	ssyncadd.s32 $0xFFFFE000  }
0x32: {  	[tilespmem:s18], [sflag:$0x2] =	stream.indirect.gather [hbm4b:s2+s17], $0x40, s17, s17, $0xb8;
	[tilespmem:$0x5800] =	vst v63  }
0x33: {  	s26 =	sadd.s32 $0x0, s10  }
0x34: {  	[hbm4b:s26+s19] =	stream.strided.scatter [tilespmem:s15], [sflag:$0x3], $0x2000, s17, s19, $0x38;
	[tilespmem:$0x5800] =	vst v63  }
0x35: {  	_ =	swait.ge [sflag:s12], $0x2000  }
0x36: {  	[sflag:s12] =	ssyncset.done $0x0  }
0x37: {  	[sflag:s12] =	ssyncadd.s32 $0xFFFFE000  }
0x38: {  	_ =	swait.ge [sflag:s20], $0x2000  }
0x39: {  	[sflag:s20] =	ssyncset.done $0x0  }
0x3a: {  	s28 =	simm.s32 $0x880;
	[sflag:s20] =	ssyncadd.s32 $0xFFFFE000  }
0x3b: {  	[tilespmem:s15], [sflag:$0x1] =	stream.indirect.gather [hbm4b:s2+s17], $0x40, s28, s17, $0xb8;
	[tilespmem:$0x5800] =	vst v63  }
0x3c: {  	s22 =	sadd.s32 $0x800, s22  }
0x3d: {  	[hbm4b:s22+s19] =	stream.strided.scatter [tilespmem:s18], [sflag:$0x3], $0x2000, s17, s19, $0x38;
	[tilespmem:$0x5800] =	vst v63  }
0x3e: {  	_ =	swait.ge [sflag:s12], $0x2000  }
0x3f: {  	[sflag:s12] =	ssyncset.done $0x0  }
0x40: {  	[sflag:s12] =	ssyncadd.s32 $0xFFFFE000  }
0x41: {  	_ =	swait.ge [sflag:s16], $0x2000  }
0x42: {  	[sflag:s16] =	ssyncset.done $0x0  }
0x43: {  	s22 =	simm.s32 $0x1080;
	[sflag:s16] =	ssyncadd.s32 $0xFFFFE000  }
0x44: {  	[tilespmem:s18], [sflag:$0x2] =	stream.indirect.gather [hbm4b:s2+s17], $0x40, s22, s17, $0xb8;
	[tilespmem:$0x5800] =	vst v63  }
0x45: {  	s29 =	sadd.s32 $0x0, s8  }
0x46: {  	[hbm4b:s29+s19] =	stream.strided.scatter [tilespmem:s15], [sflag:$0x3], $0x2000, s17, s19, $0x38;
	[tilespmem:$0x5800] =	vst v63  }
0x47: {  	_ =	swait.ge [sflag:s12], $0x2000  }
0x48: {  	[sflag:s12] =	ssyncset.done $0x0  }
0x49: {  	[sflag:s12] =	ssyncadd.s32 $0xFFFFE000  }
0x4a: {  	s30 =	smin.u32 s3, $0xD;
	_ =	swait.ge [sflag:s20], $0x2000  }
0x4b: {  	s23 =	sshll.u32 s30, $0x7;
	[sflag:s20] =	ssyncset.done $0x0  }
0x4c: {  	s23 =	sadd.s32 $0x100, s23;
	[sflag:s20] =	ssyncadd.s32 $0xFFFFE000  }
0x4d: {  	[tilespmem:s15], [sflag:$0x1] =	stream.indirect.gather [hbm4b:s2+s17], $0x40, s23, s17, $0xb8;
	[tilespmem:$0x5800] =	vst v63  }
0x4e: {  	s31 =	sadd.s32 $0x0, s9  }
0x4f: {  	[hbm4b:s31+s19] =	stream.strided.scatter [tilespmem:s18], [sflag:$0x3], $0x2000, s17, s19, $0x38;
	[tilespmem:$0x5800] =	vst v63  }
0x50: {  	s24 =	simm.s32 $0x980;
	s25 =	simm.s32 $0x180;
	_ =	swait.ge [sflag:s12], $0x2000  }
0x51: {  	s26 =	simm.s32 $0x0;
	s23 =	simm.s32 $0x1000;
	[sflag:s12] =	ssyncset.done $0x0  }
.LBB2_2:
0x52: {  	[sflag:s12] =	ssyncadd.s32 $0xFFFFE000  }
0x53: {  	_ =	swait.ge [sflag:s16], $0x2000  }
0x54: {  	s28 =	smov.u32 s23;
	[sflag:s16] =	ssyncset.done $0x0  }
0x55: {  	s30 =	sadd.s32 $0xFFFFFF80, s24;
	s29 =	rddreg [dreg:$0x3];
	[sflag:s16] =	ssyncadd.s32 $0xFFFFE000  }
0x56: {  	[tilespmem:s18], [sflag:$0x2] =	stream.indirect.gather [hbm4b:s2+s17], $0x40, s30, s17, $0xb8;
	[tilespmem:$0x5800] =	vst v63  }
0x57: {  	s29 =	sadd.s32 s28, s29  }
0x58: {  	[hbm4b:s29+s19] =	stream.strided.scatter [tilespmem:s15], [sflag:$0x3], $0x2000, s17, s19, $0x38;
	[tilespmem:$0x5800] =	vst v63  }
0x59: {  	_ =	swait.ge [sflag:s12], $0x2000  }
0x5a: {  	[sflag:s12] =	ssyncset.done $0x0  }
0x5b: {  	[sflag:s12] =	ssyncadd.s32 $0xFFFFE000  }
0x5c: {  	_ =	swait.ge [sflag:s20], $0x2000  }
0x5d: {  	s22 =	sadd.s32 $0x100, s22;
	[sflag:s20] =	ssyncset.done $0x0  }
0x5e: {  	s31 =	sadd.s32 $0xFFFFFF80, s22;
	[sflag:s20] =	ssyncadd.s32 $0xFFFFE000  }
0x5f: {  	[tilespmem:s15], [sflag:$0x1] =	stream.indirect.gather [hbm4b:s2+s17], $0x40, s31, s17, $0xb8;
	[tilespmem:$0x5800] =	vst v63  }
0x60: {  	s31 =	sadd.s32 s28, s11  }
0x61: {  	[hbm4b:s31+s19] =	stream.strided.scatter [tilespmem:s18], [sflag:$0x3], $0x2000, s17, s19, $0x38;
	[tilespmem:$0x5800] =	vst v63  }
0x62: {  	_ =	swait.ge [sflag:s12], $0x2000  }
0x63: {  	[sflag:s12] =	ssyncset.done $0x0  }
0x64: {  	[sflag:s12] =	ssyncadd.s32 $0xFFFFE000  }
0x65: {  	_ =	swait.ge [sflag:s16], $0x2000  }
0x66: {  	[sflag:s16] =	ssyncset.done $0x0  }
0x67: {  	[sflag:s16] =	ssyncadd.s32 $0xFFFFE000  }
0x68: {  	[tilespmem:s18], [sflag:$0x2] =	stream.indirect.gather [hbm4b:s2+s17], $0x40, s25, s17, $0xb8;
	[tilespmem:$0x5800] =	vst v63  }
0x69: {  	s31 =	sadd.s32 s28, s10  }
0x6a: {  	[hbm4b:s31+s19] =	stream.strided.scatter [tilespmem:s15], [sflag:$0x3], $0x2000, s17, s19, $0x38;
	[tilespmem:$0x5800] =	vst v63  }
0x6b: {  	_ =	swait.ge [sflag:s12], $0x2000  }
0x6c: {  	[sflag:s12] =	ssyncset.done $0x0  }
0x6d: {  	[sflag:s12] =	ssyncadd.s32 $0xFFFFE000  }
0x6e: {  	_ =	swait.ge [sflag:s20], $0x2000  }
0x6f: {  	[sflag:s20] =	ssyncset.done $0x0  }
0x70: {  	[sflag:s20] =	ssyncadd.s32 $0xFFFFE000  }
0x71: {  	[tilespmem:s15], [sflag:$0x1] =	stream.indirect.gather [hbm4b:s2+s17], $0x40, s24, s17, $0xb8;
	[tilespmem:$0x5800] =	vst v63  }
0x72: {  	s29 =	sadd.s32 $0x800, s29  }
0x73: {  	[hbm4b:s29+s19] =	stream.strided.scatter [tilespmem:s18], [sflag:$0x3], $0x2000, s17, s19, $0x38;
	[tilespmem:$0x5800] =	vst v63  }
0x74: {  	_ =	swait.ge [sflag:s12], $0x2000  }
0x75: {  	[sflag:s12] =	ssyncset.done $0x0  }
0x76: {  	[sflag:s12] =	ssyncadd.s32 $0xFFFFE000  }
0x77: {  	_ =	swait.ge [sflag:s16], $0x2000  }
0x78: {  	[sflag:s16] =	ssyncset.done $0x0  }
0x79: {  	[sflag:s16] =	ssyncadd.s32 $0xFFFFE000  }
0x7a: {  	[tilespmem:s18], [sflag:$0x2] =	stream.indirect.gather [hbm4b:s2+s17], $0x40, s22, s17, $0xb8;
	[tilespmem:$0x5800] =	vst v63  }
0x7b: {  	s30 =	sadd.s32 s28, s8  }
0x7c: {  	[hbm4b:s30+s19] =	stream.strided.scatter [tilespmem:s15], [sflag:$0x3], $0x2000, s17, s19, $0x38;
	[tilespmem:$0x5800] =	vst v63  }
0x7d: {  	_ =	swait.ge [sflag:s12], $0x2000  }
0x7e: {  	[sflag:s12] =	ssyncset.done $0x0  }
0x7f: {  	s26 =	sadd.s32 $0x2, s26;
	[sflag:s12] =	ssyncadd.s32 $0xFFFFE000  }
0x80: {  	s31 =	smin.u32 s26, $0xD;
	_ =	swait.ge [sflag:s20], $0x2000  }
0x81: {  	s29 =	sshll.u32 s31, $0x7;
	[sflag:s20] =	ssyncset.done $0x0  }
0x82: {  	p0 =	sne.s32 s23, $0x7000;
	s29 =	sadd.s32 $0x100, s29;
	[sflag:s20] =	ssyncadd.s32 $0xFFFFE000  }
0x83: {  	[tilespmem:s15], [sflag:$0x1] =	stream.indirect.gather [hbm4b:s2+s17], $0x40, s29, s17, $0xb8;
	[tilespmem:$0x5800] =	vst v63  }
.Ltmp0:
0x84: {  	_ = 	snop;
	(pc) =	sbr.rel @p0 .LBB2_2-.Ltmp0, $4  }
0x85: {  	s28 =	sadd.s32 s28, s9  }
0x86: {  	[hbm4b:s28+s19] =	stream.strided.scatter [tilespmem:s18], [sflag:$0x3], $0x2000, s17, s19, $0x38;
	[tilespmem:$0x5800] =	vst v63  }
0x87: {  	s23 =	sadd.s32 $0x1000, s23;
	_ =	swait.ge [sflag:s12], $0x2000  }
0x88: {  	s25 =	sadd.s32 $0x100, s25;
	s24 =	sadd.s32 $0x100, s24;
	[sflag:s12] =	ssyncset.done $0x0  }
0x89: {  	s21 =	sadd.s32 $0x1, s21  }
0x8a: {  	p0 =	sne.s32 s21, s7  }
.Ltmp1:
0x8b: {  	_ = 	snop;
	(pc) =	sbr.rel @p0 .LBB2_1-.Ltmp1, $4  }
0x8c: {  	[sflag:s12] =	ssyncadd.s32 $0xFFFFE000  }
0x8d: {  	_ =	swait.ge [sflag:s16], $0x2000  }
0x8e: {  	[sflag:s16] =	ssyncset.done $0x0  }
0x8f: {  	[sflag:s16] =	ssyncadd.s32 $0xFFFFE000  }
0x90: {  	_ =	sfence.sel $0x180000  }
0x91: {  	[bflag:$0x0] =	sbarrier.arrive $0xFFFF  }
0x92: {  	p0 =	sne.s32 s0, $0x0;
	_ =	strace $0x90000047  }
0x93: {  	s0 =	sadd.s32 @!p0 $0x100000, s1;
	[bflag:$0x2] =	sbarrier.arrive $0xFFFF  }
0x94: {  	[sflag:s0] =	ssyncadd.tile.s32 @!p0 $0x1;
	_ =	shalt  }
.Lfunc_end2:
_tile_overlayer_lowered:
.L_overlay_start_2:
0x95: {  	(tag) =	ssettag $0x2  }
0x96: {  	s0 =	rddreg [dreg:$0x0];
	s2 =	stileid.u32  }
0x97: {  	s1 =	rddreg [dreg:$0x1];
	p0 =	sne.s32 s2, $0x0  }
0x98: {  	s3 =	rddreg [dreg:$0x2];
	[bflag:$0x3] =	sbarrier.arrive $0xFFFF;
	s2 =	simm.s32 @!p0 $0x1C03  }
0x99: {  	[timem:s3], [sflag:s2] =	dma.local @!p0 [hbm:s0], s1  }
0x9a: {  	s0 =	simm.s32 @!p0 $0x3  }
0x9b: {  	_ =	swait.ge @!p0 [sflag:s0], s1  }
0x9c: {  	s1 =	ssub.s32 @!p0 $0x0, s1;
	[sflag:s0] =	ssyncset.done @!p0 $0x0  }
0x9d: {  	[sflag:s0] =	ssyncadd.s32 @!p0 s1  }
0x9e: {  	[bflag:$0x3] =	sbarrier.arrive $0xFFFF  }
0x9f: {  	_ =	shalt  }

</sc_bundles>
